<compile_context>
chip_gen: v7x
topology: tpu7x:2x2x1
jax: 0.10.2.dev20260603
libtpu: 0.0.44.dev20260713+nightly
codegen_flags: <defaults>
</compile_context>

<pallas_src>
import functools

import jax
import jax.numpy as jnp
from jax import lax
from jax.experimental import pallas as pl
from jax.experimental.pallas import tpu as pltpu
from jax.experimental.pallas import tpu_sc as plsc

D = 128
H = 8
DH = 16
NBS = 64
EPS = 1e-5
R = 1024
CH = 128
NSUB = 16
_SQRT2 = 1.4142135623730951


def _geluk(x):
    return 0.5 * x * (1.0 + lax.erf(x / _SQRT2))


def _sigk(x):
    return 1.0 / (1.0 + jnp.exp(-x))


def _lnk(x, g, b):
    mu = jnp.mean(x, axis=-1, keepdims=True)
    xc = x - mu
    var = jnp.mean(xc * xc, axis=-1, keepdims=True)
    return xc * lax.rsqrt(var + EPS) * g + b


def _ln_mx(x, g, b, mavg):
    bf16 = jnp.bfloat16
    f32 = jnp.float32
    mu = jnp.dot(x.astype(bf16), mavg, preferred_element_type=f32)
    ex2 = jnp.dot((x * x).astype(bf16), mavg, preferred_element_type=f32)
    var = ex2 - mu * mu
    return (x - mu) * lax.rsqrt(var + EPS) * g + b


def _gather_rows(h, idx3, epad):
    k_chunks = epad // (NSUB * CH)
    perw = k_chunks * CH
    nhalf = k_chunks // 2
    mesh = plsc.VectorSubcoreMesh(core_axis_name="c", subcore_axis_name="s")

    @functools.partial(
        pl.kernel,
        mesh=mesh,
        out_type=(
            jax.ShapeDtypeStruct((epad, D), jnp.float32),
            jax.ShapeDtypeStruct((epad, D), jnp.float32),
        ),
        scratch_types=[
            pltpu.VMEM((k_chunks, CH), jnp.int32),
            pltpu.VMEM((CH, D), jnp.float32),
            pltpu.VMEM((CH, D), jnp.float32),
            pltpu.SemaphoreType.DMA,
            pltpu.SemaphoreType.DMA,
        ],
    )
    def _gath(h_hbm, idx_hbm, hs_hbm, hd_hbm, idx_v, buf_a, buf_b, sem_a,
              sem_b):
        c = lax.axis_index("c")
        s = lax.axis_index("s")
        w = c * NSUB + s
        pltpu.sync_copy(idx_hbm.at[w], idx_v)
        base = s * perw

        def _write(buf, chunk):
            @pl.when(c == 0)
            def _():
                pltpu.sync_copy(buf, hs_hbm.at[pl.ds(base + chunk * CH, CH)])

            @pl.when(c == 1)
            def _():
                pltpu.sync_copy(buf, hd_hbm.at[pl.ds(base + chunk * CH, CH)])

        dummy = h_hbm.at[pl.ds(0, CH)]
        pltpu.async_copy(h_hbm.at[idx_v.at[0]], buf_a, sem_a)

        def body(t, carry):
            c0 = 2 * t
            c1 = c0 + 1
            pltpu.make_async_copy(dummy, buf_a, sem_a).wait()
            pltpu.async_copy(h_hbm.at[idx_v.at[c1]], buf_b, sem_b)
            _write(buf_a, c0)
            pltpu.make_async_copy(dummy, buf_b, sem_b).wait()

            @pl.when(t + 1 < nhalf)
            def _():
                pltpu.async_copy(h_hbm.at[idx_v.at[c0 + 2]], buf_a, sem_a)

            _write(buf_b, c1)
            return carry

        lax.fori_loop(0, nhalf, body, 0)

    return _gath(h, idx3)


def _tc1_body(n_edges, grid_n,
              hs_ref, hd_ref, e_ref, h_ref, b_ref,
              wqt, wkt, wvt, wot, we1at, we1bt, we1ct, we2t,
              wn1at, wn1bt, wn2t, v128, v256,
              hnew_ref, eout_ref, seg_ref, cnt_ref,
              seg_acc, cnt_acc):
    i = pl.program_id(0)
    f32 = jnp.float32
    bf16 = jnp.bfloat16
    hs = hs_ref[...]
    hd = hd_ref[...]
    ev = e_ref[...]
    hv = h_ref[...]

    bq = v128[0:1, :]
    bk = v128[1:2, :]
    bv = v128[2:3, :]
    bo = v128[3:4, :]
    be1 = v128[4:5, :]
    ge1 = v128[5:6, :]
    he1 = v128[6:7, :]
    be2 = v128[7:8, :]
    gl1 = v128[8:9, :]
    bl1 = v128[9:10, :]
    bn2 = v128[10:11, :]
    gl2 = v128[11:12, :]
    bl2 = v128[12:13, :]
    bn1 = v256[0:1, :]
    gn1 = v256[1:2, :]
    hn1 = v256[2:3, :]

    dot = functools.partial(jnp.dot, preferred_element_type=f32)
    mavg128 = jnp.full((D, D), 1.0 / D, bf16)
    mavg256 = jnp.full((2 * D, 2 * D), 1.0 / (2 * D), bf16)
    hsb = hs.astype(bf16)
    hdb = hd.astype(bf16)
    evb = ev.astype(bf16)

    q = dot(hdb, wqt[...]) + bq
    k = dot(hsb, wkt[...]) + bk
    v = dot(hsb, wvt[...]) + bv
    lane_h = lax.broadcasted_iota(jnp.int32, (D, H), 0) // DH
    head_c = lax.broadcasted_iota(jnp.int32, (D, H), 1)
    m_dn = jnp.where(lane_h == head_c, 0.25, 0.0).astype(bf16)
    scores = dot((q * k).astype(bf16), m_dn)
    m = jnp.max(scores, axis=-1, keepdims=True)
    p = jnp.exp(scores - m)
    attn = p / jnp.sum(p, axis=-1, keepdims=True)
    head_r = lax.broadcasted_iota(jnp.int32, (H, D), 0)
    lane_c = lax.broadcasted_iota(jnp.int32, (H, D), 1) // DH
    m_up = jnp.where(head_r == lane_c, 1.0, 0.0).astype(bf16)
    attn_full = dot(attn.astype(bf16), m_up)
    msg = dot((attn_full * v).astype(bf16), wot[...]) + bo

    e_mid = dot(hsb, we1at[...]) + dot(evb, we1bt[...]) + dot(hdb, we1ct[...]) + be1
    e_mid = _geluk(_ln_mx(e_mid, ge1, he1, mavg128))
    e_upd = dot(e_mid.astype(bf16), we2t[...]) + be2
    eout_ref[...] = _ln_mx(ev + e_upd, gl1, bl1, mavg128)

    n_mid = dot(msg.astype(bf16), wn1at[...]) + dot(hdb, wn1bt[...]) + bn1
    n_mid = _geluk(_ln_mx(n_mid, gn1, hn1, mavg256))
    h_upd = dot(n_mid.astype(bf16), wn2t[...]) + bn2
    h_new = _ln_mx(hv + h_upd, gl2, bl2, mavg128)
    hb_new = h_new.astype(bf16)
    hnew_ref[...] = hb_new

    bi = b_ref[0]
    seg_ids = lax.broadcasted_iota(jnp.int32, (NBS, R), 0)
    pos = lax.broadcasted_iota(jnp.int32, (NBS, R), 1)
    valid = (pos + i * R) < n_edges
    oht = jnp.where((seg_ids == bi) & valid, 1.0, 0.0).astype(f32)

    @pl.when(i == 0)
    def _():
        seg_acc[...] = jnp.zeros_like(seg_acc)
        cnt_acc[...] = jnp.zeros_like(cnt_acc)

    seg_acc[...] += dot(oht.astype(bf16), hb_new)
    cnt_acc[...] = cnt_acc[...] + jnp.sum(oht, axis=-1, keepdims=True)

    @pl.when(i == grid_n - 1)
    def _():
        seg_ref[...] = seg_acc[...]
        cnt_ref[...] = cnt_acc[...]


def _tc2_body(hnew_ref, b_ref, seg, cnt, wg1t, wg2t, vg, out_ref, gates_s):
    i = pl.program_id(0)
    f32 = jnp.float32
    dot = functools.partial(jnp.dot, preferred_element_type=f32)

    @pl.when(i == 0)
    def _():
        bg1 = vg[0:1, :]
        gg1 = vg[1:2, :]
        hg1 = vg[2:3, :]
        bg2 = vg[3:4, :]
        h_global = seg[...] / jnp.maximum(cnt[...], 1.0)
        g_mid = dot(h_global, wg1t[...]) + bg1
        g_mid = _geluk(_lnk(g_mid, gg1, hg1))
        gates_s[...] = _sigk(dot(g_mid, wg2t[...]) + bg2)

    bi = b_ref[0]
    seg_ids = lax.broadcasted_iota(jnp.int32, (NBS, R), 0)
    oht = jnp.where(seg_ids == bi, 1.0, 0.0).astype(jnp.bfloat16)
    gate_rows = lax.dot_general(oht, gates_s[...].astype(jnp.bfloat16),
                                (((0,), (0,)), ((), ())),
                                preferred_element_type=f32)
    out_ref[...] = hnew_ref[...].astype(f32) * gate_rows


def kernel(h, e, edge_index, batch_idx, params):
    n_nodes, d = h.shape
    n_edges = edge_index.shape[1]
    sc_block = NSUB * CH * 2
    epad = ((n_edges + sc_block - 1) // sc_block) * sc_block
    grid_n = (n_edges + R - 1) // R
    tpad = grid_n * R
    p = params

    src = edge_index[0].astype(jnp.int32)
    dst = edge_index[1].astype(jnp.int32)
    pad = jnp.zeros((epad - n_edges,), jnp.int32)
    k_chunks = epad // (NSUB * CH)
    idx3 = jnp.concatenate([src, pad, dst, pad]).reshape(2 * NSUB, k_chunks, CH)

    hs, hd = _gather_rows(h, idx3, epad)

    bpad = jnp.full((tpad - n_edges,), jnp.int32(10**6), jnp.int32)
    batch3 = jnp.concatenate([batch_idx.astype(jnp.int32), bpad]).reshape(
        grid_n, 1, R)

    bf16 = jnp.bfloat16
    wqt = p["Wq"].T.astype(bf16)
    wkt = p["Wk"].T.astype(bf16)
    wvt = p["Wv"].T.astype(bf16)
    wot = p["Wo"].T.astype(bf16)
    we1t = p["We1"].T.astype(bf16)
    we1at = we1t[0:D]
    we1bt = we1t[D:2 * D]
    we1ct = we1t[2 * D:3 * D]
    we2t = p["We2"].T.astype(bf16)
    wn1t = p["Wn1"].T.astype(bf16)
    wn1at = wn1t[0:D]
    wn1bt = wn1t[D:2 * D]
    wn2t = p["Wn2"].T.astype(bf16)
    wg1t = p["Wg1"].T
    wg2t = p["Wg2"].T

    z128 = jnp.zeros((1, D), jnp.float32)
    v128 = jnp.concatenate([
        p["bq"][None], p["bk"][None], p["bv"][None], p["bo"][None],
        p["be1"][None], p["ge1"][None], p["he1"][None], p["be2"][None],
        p["g_ln1"][None], p["b_ln1"][None], p["bn2"][None],
        p["g_ln2"][None], p["b_ln2"][None], z128, z128, z128], axis=0)
    z256 = jnp.zeros((1, 2 * D), jnp.float32)
    v256 = jnp.concatenate([
        p["bn1"][None], p["gn1"][None], p["hn1"][None],
        z256, z256, z256, z256, z256], axis=0)
    vg = jnp.concatenate([
        p["bg1"][None], p["gg1"][None], p["hg1"][None], p["bg2"][None],
        z128, z128, z128, z128], axis=0)

    full = lambda shape: pl.BlockSpec(shape, lambda i: (0,) * len(shape))
    rowblk = pl.BlockSpec((R, D), lambda i: (i, 0))

    h_new, e_out, seg, cnt = pl.pallas_call(
        functools.partial(_tc1_body, n_edges, grid_n),
        grid=(grid_n,),
        in_specs=[
            rowblk, rowblk, rowblk, rowblk,
            pl.BlockSpec((1, 1, R), lambda i: (i, 0, 0)),
            full((D, D)), full((D, D)), full((D, D)), full((D, D)),
            full((D, D)), full((D, D)), full((D, D)), full((D, D)),
            full((D, 2 * D)), full((D, 2 * D)), full((2 * D, D)),
            full((16, D)), full((8, 2 * D)),
        ],
        out_specs=[
            rowblk, rowblk,
            full((NBS, D)), full((NBS, D)),
        ],
        out_shape=[
            jax.ShapeDtypeStruct((n_edges, D), jnp.bfloat16),
            jax.ShapeDtypeStruct((n_edges, D), jnp.float32),
            jax.ShapeDtypeStruct((NBS, D), jnp.float32),
            jax.ShapeDtypeStruct((NBS, D), jnp.float32),
        ],
        scratch_shapes=[
            pltpu.VMEM((NBS, D), jnp.float32),
            pltpu.VMEM((NBS, D), jnp.float32),
        ],
        compiler_params=pltpu.CompilerParams(
            dimension_semantics=("arbitrary",)),
    )(hs, hd, e, h, batch3,
      wqt, wkt, wvt, wot, we1at, we1bt, we1ct, we2t,
      wn1at, wn1bt, wn2t, v128, v256)

    h_final = pl.pallas_call(
        _tc2_body,
        grid=(grid_n,),
        in_specs=[
            rowblk,
            pl.BlockSpec((1, 1, R), lambda i: (i, 0, 0)),
            full((NBS, D)), full((NBS, D)),
            full((D, D)), full((D, D)), full((8, D)),
        ],
        out_specs=rowblk,
        out_shape=jax.ShapeDtypeStruct((n_nodes, D), jnp.float32),
        scratch_shapes=[pltpu.VMEM((NBS, D), jnp.float32)],
        compiler_params=pltpu.CompilerParams(
            dimension_semantics=("arbitrary",)),
    )(h_new, batch3, seg, cnt, wg1t, wg2t, vg)

    return (h_final, e_out)

# --- scband reference (transcript-rebuilt; emitter-appended) ---
"""Pipeline reference for scband-pi-gnnlayer-25185688224413 (READ-ONLY COPY).

The authoritative reference and input builder live on the scoring server;
editing this copy changes nothing except your own understanding.
"""

import jax, jax.numpy as jnp
import numpy as np

N = 100000
E = 100000
D = 128
H = 8
DH = D // H
NB = 64
EPS = 1e-5


def _lin_w(k, dout, din):
    return jax.random.normal(k, (dout, din), dtype=jnp.float32) * 0.02


def setup_inputs(seed: int = 0):
    key = jax.random.key(seed)
    ks = jax.random.split(key, 24)
    h = jax.random.normal(ks[0], (N, D), dtype=jnp.float32)
    e = jax.random.normal(ks[1], (E, D), dtype=jnp.float32)
    edge_index = jax.random.randint(ks[2], (2, E), 0, N)
    batch_idx = jnp.sort(jax.random.randint(ks[3], (N,), 0, NB))
    p = {}
    p["Wq"] = _lin_w(ks[4], D, D); p["bq"] = jnp.zeros((D,), jnp.float32)
    p["Wk"] = _lin_w(ks[5], D, D); p["bk"] = jnp.zeros((D,), jnp.float32)
    p["Wv"] = _lin_w(ks[6], D, D); p["bv"] = jnp.zeros((D,), jnp.float32)
    p["Wo"] = _lin_w(ks[7], D, D); p["bo"] = jnp.zeros((D,), jnp.float32)
    p["We1"] = _lin_w(ks[8], D, 3 * D); p["be1"] = jnp.zeros((D,), jnp.float32)
    p["ge1"] = jnp.ones((D,), jnp.float32); p["he1"] = jnp.zeros((D,), jnp.float32)
    p["We2"] = _lin_w(ks[9], D, D); p["be2"] = jnp.zeros((D,), jnp.float32)
    p["Wn1"] = _lin_w(ks[10], 2 * D, 2 * D); p["bn1"] = jnp.zeros((2 * D,), jnp.float32)
    p["gn1"] = jnp.ones((2 * D,), jnp.float32); p["hn1"] = jnp.zeros((2 * D,), jnp.float32)
    p["Wn2"] = _lin_w(ks[11], D, 2 * D); p["bn2"] = jnp.zeros((D,), jnp.float32)
    p["Wg1"] = _lin_w(ks[12], D, D); p["bg1"] = jnp.zeros((D,), jnp.float32)
    p["gg1"] = jnp.ones((D,), jnp.float32); p["hg1"] = jnp.zeros((D,), jnp.float32)
    p["Wg2"] = _lin_w(ks[13], D, D); p["bg2"] = jnp.zeros((D,), jnp.float32)
    p["g_ln1"] = jnp.ones((D,), jnp.float32); p["b_ln1"] = jnp.zeros((D,), jnp.float32)
    p["g_ln2"] = jnp.ones((D,), jnp.float32); p["b_ln2"] = jnp.zeros((D,), jnp.float32)
    return {"h": h, "e": e, "edge_index": edge_index, "batch_idx": batch_idx, "params": p}


def _lin(x, W, b):
    return x @ W.T + b


def _ln(x, g, b):
    mu = jnp.mean(x, axis=-1, keepdims=True)
    var = jnp.var(x, axis=-1, keepdims=True)
    return (x - mu) / jnp.sqrt(var + EPS) * g + b


def _forward(h, e, params, edge_index, batch_idx):
    p = params
    src = edge_index[0]
    dst = edge_index[1]
    h_src = jnp.take(h, src, axis=0)
    h_dst = jnp.take(h, dst, axis=0)
    q = _lin(h_dst, p["Wq"], p["bq"]).reshape(-1, H, DH)
    k = _lin(h_src, p["Wk"], p["bk"]).reshape(-1, H, DH)
    v = _lin(h_src, p["Wv"], p["bv"]).reshape(-1, H, DH)
    scores = jnp.einsum('nhd,nhd->nh', q, k) / np.sqrt(DH).astype(np.float32)
    attn = jax.nn.softmax(scores, axis=1)
    # dropout in eval mode -> identity
    msg = attn[:, :, None] * v
    msg = msg.reshape(-1, H * DH)
    msg = _lin(msg, p["Wo"], p["bo"])
    e_in = jnp.concatenate([h_src, e, h_dst], axis=-1)
    e_mid = _lin(e_in, p["We1"], p["be1"])
    e_mid = jax.nn.gelu(_ln(e_mid, p["ge1"], p["he1"]), approximate=False)
    e_upd = _lin(e_mid, p["We2"], p["be2"])
    e_out = _ln(e + e_upd, p["g_ln1"], p["b_ln1"])
    h_in = jnp.concatenate([msg, h_dst], axis=-1)
    n_mid = _lin(h_in, p["Wn1"], p["bn1"])
    n_mid = jax.nn.gelu(_ln(n_mid, p["gn1"], p["hn1"]), approximate=False)
    h_upd = _lin(n_mid, p["Wn2"], p["bn2"])
    h_new = _ln(h + h_upd, p["g_ln2"], p["b_ln2"])
    # scatter_mean over batch_idx
    seg_sum = jax.ops.segment_sum(h_new, batch_idx, num_segments=NB)
    counts = jax.ops.segment_sum(jnp.ones((h_new.shape[0], 1), jnp.float32), batch_idx, num_segments=NB)
    h_global = seg_sum / jnp.maximum(counts, 1.0)
    g_mid = _lin(h_global, p["Wg1"], p["bg1"])
    g_mid = jax.nn.gelu(_ln(g_mid, p["gg1"], p["hg1"]), approximate=False)
    gates = jax.nn.sigmoid(_lin(g_mid, p["Wg2"], p["bg2"]))
    h_final = h_new * jnp.take(gates, batch_idx, axis=0)
    return (h_final, e_out)


def reference(h, e, edge_index, batch_idx, params):
    return _forward(h, e, params, edge_index, batch_idx)

if __name__ == "__main__":
    import jax
    _d = setup_inputs()
    print(jax.jit(kernel)(*tuple(_d.values())))

</pallas_src>

<mosaic_0001>
#map = affine_map<(d0, d1) -> (0, 0)>
#map1 = affine_map<(d0, d1) -> (0, 0, 0)>
module attributes {stable_mosaic.version = 14 : i64} {
  func.func @_gath(%arg0: i32, %arg1: i32, %arg2: memref<100000x128xf32, #tpu.memory_space<hbm>>, %arg3: memref<32x50x128xi32, #tpu.memory_space<hbm>>, %arg4: memref<102400x128xf32, #tpu.memory_space<hbm>>, %arg5: memref<102400x128xf32, #tpu.memory_space<hbm>>, %arg6: memref<50x128xi32, #tpu.memory_space<vmem>>, %arg7: memref<128x128xf32, #tpu.memory_space<vmem>>, %arg8: memref<128x128xf32, #tpu.memory_space<vmem>>, %arg9: memref<!tpu.dma_semaphore, #tpu.memory_space<semaphore_mem>>, %arg10: memref<!tpu.dma_semaphore, #tpu.memory_space<semaphore_mem>>) attributes {dimension_semantics = [#tpu.dimension_semantics<core_parallel>, #tpu.dimension_semantics<subcore_parallel>], iteration_bounds = array<i64: 2, 16>, scalar_prefetch = 0 : i64, scratch_operands = 5 : i64, tpu.core_type = #tpu.core_type<sc_vector_subcore>, window_params = [{transform_indices = #map}, {transform_indices = #map1}, {transform_indices = #map}, {transform_indices = #map}]} {
    %mul3A = arith.constant 16 : i32
    %mul3A_0 = arith.muli %arg0, %mul3A : i32
    %add3A = arith.addi %mul3A_0, %arg1 : i32
    "tpu.region"() ({
      %run_scoped3A = tpu.sem_alloc : memref<!tpu.dma_semaphore, #tpu.memory_space<semaphore_mem>>
      %dma_start3A_14 = arith.constant 0 : i32
      %dma_start3A_15 = arith.constant 0 : i32
      %dma_start3A_16 = tpu.memref_slice %arg3[%add3A, %dma_start3A_14, %dma_start3A_15] : memref<32x50x128xi32, #tpu.memory_space<hbm>> -> memref<1x50x128xi32, #tpu.memory_space<hbm>>
      %dma_start3A_17 = tpu.memref_squeeze %dma_start3A_16 : memref<1x50x128xi32, #tpu.memory_space<hbm>> -> memref<50x128xi32, #tpu.memory_space<hbm>>
      %dma_start3A_18 = arith.constant 0 : i32
      %dma_start3A_19 = arith.constant 0 : i32
      %dma_start3A_20 = tpu.memref_slice %arg3[%add3A, %dma_start3A_18, %dma_start3A_19] : memref<32x50x128xi32, #tpu.memory_space<hbm>> -> memref<1x50x128xi32, #tpu.memory_space<hbm>>
      %dma_start3A_21 = tpu.memref_squeeze %dma_start3A_20 : memref<1x50x128xi32, #tpu.memory_space<hbm>> -> memref<50x128xi32, #tpu.memory_space<hbm>>
      tpu.enqueue_dma source(%dma_start3A_21 : memref<50x128xi32, #tpu.memory_space<hbm>>) target(%arg6 : memref<50x128xi32, #tpu.memory_space<vmem>>) target_semaphore(%run_scoped3A : memref<!tpu.dma_semaphore, #tpu.memory_space<semaphore_mem>>)
      %dma_wait3A = arith.constant 0 : i32
      %dma_wait3A_22 = arith.constant 0 : i32
      %dma_wait3A_23 = tpu.memref_slice %arg3[%add3A, %dma_wait3A, %dma_wait3A_22] : memref<32x50x128xi32, #tpu.memory_space<hbm>> -> memref<1x50x128xi32, #tpu.memory_space<hbm>>
      %dma_wait3A_24 = tpu.memref_squeeze %dma_wait3A_23 : memref<1x50x128xi32, #tpu.memory_space<hbm>> -> memref<50x128xi32, #tpu.memory_space<hbm>>
      %dma_wait3A_25 = arith.constant 0 : i32
      %dma_wait3A_26 = arith.constant 0 : i32
      %dma_wait3A_27 = tpu.memref_slice %arg3[%add3A, %dma_wait3A_25, %dma_wait3A_26] : memref<32x50x128xi32, #tpu.memory_space<hbm>> -> memref<1x50x128xi32, #tpu.memory_space<hbm>>
      %dma_wait3A_28 = tpu.memref_squeeze %dma_wait3A_27 : memref<1x50x128xi32, #tpu.memory_space<hbm>> -> memref<50x128xi32, #tpu.memory_space<hbm>>
      tpu.wait_dma2 semaphore(%run_scoped3A : memref<!tpu.dma_semaphore, #tpu.memory_space<semaphore_mem>>) src(%dma_wait3A_28 : memref<50x128xi32, #tpu.memory_space<hbm>>) dst(%arg6 : memref<50x128xi32, #tpu.memory_space<vmem>>)
      tpu.yield
    }) : () -> ()
    %mul3A_1 = arith.constant 6400 : i32
    %mul3A_2 = arith.muli %arg1, %mul3A_1 : i32
    %dma_start3A = arith.constant 0 : i32
    %dma_start3A_3 = arith.constant 0 : i32
    %dma_start3A_4 = tpu.memref_slice %arg6[%dma_start3A, %dma_start3A_3] : memref<50x128xi32, #tpu.memory_space<vmem>> -> memref<1x128xi32, #tpu.memory_space<vmem>>
    %dma_start3A_5 = tpu.memref_squeeze %dma_start3A_4 : memref<1x128xi32, #tpu.memory_space<vmem>> -> memref<128xi32, #tpu.memory_space<vmem>>
    %dma_start3A_6 = arith.constant 0 : i32
    %dma_start3A_7 = arith.constant 0 : i32
    %dma_start3A_8 = tpu.memref_slice %arg2[%dma_start3A_6, %dma_start3A_7] : memref<100000x128xf32, #tpu.memory_space<hbm>> -> memref<100000x128xf32, #tpu.memory_space<hbm>>
    tpu.enqueue_indirect_dma source(%dma_start3A_8 : memref<100000x128xf32, #tpu.memory_space<hbm>>) target(%arg7 : memref<128x128xf32, #tpu.memory_space<vmem>>) offsets(%dma_start3A_5 : memref<128xi32, #tpu.memory_space<vmem>>) semaphore(%arg9 : memref<!tpu.dma_semaphore, #tpu.memory_space<semaphore_mem>>)
    %scan3A = arith.constant 0 : i32
    %scan3A_9 = arith.constant 0 : i32
    %scan3A_10 = arith.constant 25 : i32
    %scan3A_11 = arith.addi %scan3A_9, %scan3A_10 : i32
    %scan3A_12 = arith.constant 1 : i32
    scf.for %scan3A_14 = %scan3A_9 to %scan3A_11 step %scan3A_12  : i32 {
      %mul3A_15 = arith.constant 2 : i32
      %mul3A_16 = arith.muli %mul3A_15, %scan3A_14 : i32
      %add3A_17 = arith.constant 1 : i32
      %add3A_18 = arith.addi %mul3A_16, %add3A_17 : i32
      %dma_wait3A = arith.constant 0 : i32
      %dma_wait3A_19 = arith.constant 0 : i32
      %dma_wait3A_20 = tpu.memref_slice %arg2[%dma_wait3A, %dma_wait3A_19] : memref<100000x128xf32, #tpu.memory_space<hbm>> -> memref<128x128xf32, #tpu.memory_space<hbm>>
      %dma_wait3A_21 = arith.constant 0 : i32
      %dma_wait3A_22 = arith.constant 0 : i32
      %dma_wait3A_23 = tpu.memref_slice %arg2[%dma_wait3A_21, %dma_wait3A_22] : memref<100000x128xf32, #tpu.memory_space<hbm>> -> memref<128x128xf32, #tpu.memory_space<hbm>>
      tpu.wait_dma2 semaphore(%arg9 : memref<!tpu.dma_semaphore, #tpu.memory_space<semaphore_mem>>) src(%dma_wait3A_23 : memref<128x128xf32, #tpu.memory_space<hbm>>) dst(%arg7 : memref<128x128xf32, #tpu.memory_space<vmem>>)
      %dma_start3A_24 = arith.constant 0 : i32
      %dma_start3A_25 = tpu.memref_slice %arg6[%add3A_18, %dma_start3A_24] : memref<50x128xi32, #tpu.memory_space<vmem>> -> memref<1x128xi32, #tpu.memory_space<vmem>>
      %dma_start3A_26 = tpu.memref_squeeze %dma_start3A_25 : memref<1x128xi32, #tpu.memory_space<vmem>> -> memref<128xi32, #tpu.memory_space<vmem>>
      %dma_start3A_27 = arith.constant 0 : i32
      %dma_start3A_28 = arith.constant 0 : i32
      %dma_start3A_29 = tpu.memref_slice %arg2[%dma_start3A_27, %dma_start3A_28] : memref<100000x128xf32, #tpu.memory_space<hbm>> -> memref<100000x128xf32, #tpu.memory_space<hbm>>
      tpu.enqueue_indirect_dma source(%dma_start3A_29 : memref<100000x128xf32, #tpu.memory_space<hbm>>) target(%arg8 : memref<128x128xf32, #tpu.memory_space<vmem>>) offsets(%dma_start3A_26 : memref<128xi32, #tpu.memory_space<vmem>>) semaphore(%arg10 : memref<!tpu.dma_semaphore, #tpu.memory_space<semaphore_mem>>)
      %eq3A = arith.constant 0 : i32
      %eq3A_30 = arith.cmpi eq, %arg0, %eq3A : i32
      %convert_element_type3A = arith.extui %eq3A_30 : i1 to i32
      %cond3A = arith.constant 0 : i32
      %cond3A_31 = arith.cmpi ne, %convert_element_type3A, %cond3A : i32
      scf.if %cond3A_31 {
        %mul3A_59 = arith.constant 128 : i32
        %mul3A_60 = arith.muli %mul3A_16, %mul3A_59 : i32
        %add3A_61 = arith.addi %mul3A_2, %mul3A_60 : i32
        "tpu.region"() ({
          %run_scoped3A = tpu.sem_alloc : memref<!tpu.dma_semaphore, #tpu.memory_space<semaphore_mem>>
          %dma_start3A_62 = arith.constant 0 : i32
          %dma_start3A_63 = tpu.memref_slice %arg4[%add3A_61, %dma_start3A_62] : memref<102400x128xf32, #tpu.memory_space<hbm>> -> memref<128x128xf32, #tpu.memory_space<hbm>>
          %dma_start3A_64 = arith.constant 0 : i32
          %dma_start3A_65 = tpu.memref_slice %arg4[%add3A_61, %dma_start3A_64] : memref<102400x128xf32, #tpu.memory_space<hbm>> -> memref<128x128xf32, #tpu.memory_space<hbm>>
          tpu.enqueue_dma source(%arg7 : memref<128x128xf32, #tpu.memory_space<vmem>>) target(%dma_start3A_65 : memref<128x128xf32, #tpu.memory_space<hbm>>) target_semaphore(%run_scoped3A : memref<!tpu.dma_semaphore, #tpu.memory_space<semaphore_mem>>)
          %dma_wait3A_66 = arith.constant 0 : i32
          %dma_wait3A_67 = tpu.memref_slice %arg4[%add3A_61, %dma_wait3A_66] : memref<102400x128xf32, #tpu.memory_space<hbm>> -> memref<128x128xf32, #tpu.memory_space<hbm>>
          %dma_wait3A_68 = arith.constant 0 : i32
          %dma_wait3A_69 = tpu.memref_slice %arg4[%add3A_61, %dma_wait3A_68] : memref<102400x128xf32, #tpu.memory_space<hbm>> -> memref<128x128xf32, #tpu.memory_space<hbm>>
          tpu.wait_dma2 semaphore(%run_scoped3A : memref<!tpu.dma_semaphore, #tpu.memory_space<semaphore_mem>>) src(%arg7 : memref<128x128xf32, #tpu.memory_space<vmem>>) dst(%dma_wait3A_69 : memref<128x128xf32, #tpu.memory_space<hbm>>)
          tpu.yield
        }) : () -> ()
      } else {
      }
      %eq3A_32 = arith.constant 1 : i32
      %eq3A_33 = arith.cmpi eq, %arg0, %eq3A_32 : i32
      %convert_element_type3A_34 = arith.extui %eq3A_33 : i1 to i32
      %cond3A_35 = arith.constant 0 : i32
      %cond3A_36 = arith.cmpi ne, %convert_element_type3A_34, %cond3A_35 : i32
      scf.if %cond3A_36 {
        %mul3A_59 = arith.constant 128 : i32
        %mul3A_60 = arith.muli %mul3A_16, %mul3A_59 : i32
        %add3A_61 = arith.addi %mul3A_2, %mul3A_60 : i32
        "tpu.region"() ({
          %run_scoped3A = tpu.sem_alloc : memref<!tpu.dma_semaphore, #tpu.memory_space<semaphore_mem>>
          %dma_start3A_62 = arith.constant 0 : i32
          %dma_start3A_63 = tpu.memref_slice %arg5[%add3A_61, %dma_start3A_62] : memref<102400x128xf32, #tpu.memory_space<hbm>> -> memref<128x128xf32, #tpu.memory_space<hbm>>
          %dma_start3A_64 = arith.constant 0 : i32
          %dma_start3A_65 = tpu.memref_slice %arg5[%add3A_61, %dma_start3A_64] : memref<102400x128xf32, #tpu.memory_space<hbm>> -> memref<128x128xf32, #tpu.memory_space<hbm>>
          tpu.enqueue_dma source(%arg7 : memref<128x128xf32, #tpu.memory_space<vmem>>) target(%dma_start3A_65 : memref<128x128xf32, #tpu.memory_space<hbm>>) target_semaphore(%run_scoped3A : memref<!tpu.dma_semaphore, #tpu.memory_space<semaphore_mem>>)
          %dma_wait3A_66 = arith.constant 0 : i32
          %dma_wait3A_67 = tpu.memref_slice %arg5[%add3A_61, %dma_wait3A_66] : memref<102400x128xf32, #tpu.memory_space<hbm>> -> memref<128x128xf32, #tpu.memory_space<hbm>>
          %dma_wait3A_68 = arith.constant 0 : i32
          %dma_wait3A_69 = tpu.memref_slice %arg5[%add3A_61, %dma_wait3A_68] : memref<102400x128xf32, #tpu.memory_space<hbm>> -> memref<128x128xf32, #tpu.memory_space<hbm>>
          tpu.wait_dma2 semaphore(%run_scoped3A : memref<!tpu.dma_semaphore, #tpu.memory_space<semaphore_mem>>) src(%arg7 : memref<128x128xf32, #tpu.memory_space<vmem>>) dst(%dma_wait3A_69 : memref<128x128xf32, #tpu.memory_space<hbm>>)
          tpu.yield
        }) : () -> ()
      } else {
      }
      %dma_wait3A_37 = arith.constant 0 : i32
      %dma_wait3A_38 = arith.constant 0 : i32
      %dma_wait3A_39 = tpu.memref_slice %arg2[%dma_wait3A_37, %dma_wait3A_38] : memref<100000x128xf32, #tpu.memory_space<hbm>> -> memref<128x128xf32, #tpu.memory_space<hbm>>
      %dma_wait3A_40 = arith.constant 0 : i32
      %dma_wait3A_41 = arith.constant 0 : i32
      %dma_wait3A_42 = tpu.memref_slice %arg2[%dma_wait3A_40, %dma_wait3A_41] : memref<100000x128xf32, #tpu.memory_space<hbm>> -> memref<128x128xf32, #tpu.memory_space<hbm>>
      tpu.wait_dma2 semaphore(%arg10 : memref<!tpu.dma_semaphore, #tpu.memory_space<semaphore_mem>>) src(%dma_wait3A_42 : memref<128x128xf32, #tpu.memory_space<hbm>>) dst(%arg8 : memref<128x128xf32, #tpu.memory_space<vmem>>)
      %add3A_43 = arith.constant 1 : i32
      %add3A_44 = arith.addi %scan3A_14, %add3A_43 : i32
      %lt3A = arith.constant 25 : i32
      %lt3A_45 = arith.cmpi slt, %add3A_44, %lt3A : i32
      %convert_element_type3A_46 = arith.extui %lt3A_45 : i1 to i32
      %cond3A_47 = arith.constant 0 : i32
      %cond3A_48 = arith.cmpi ne, %convert_element_type3A_46, %cond3A_47 : i32
      scf.if %cond3A_48 {
        %add3A_59 = arith.constant 2 : i32
        %add3A_60 = arith.addi %mul3A_16, %add3A_59 : i32
        %dma_start3A_61 = arith.constant 0 : i32
        %dma_start3A_62 = tpu.memref_slice %arg6[%add3A_60, %dma_start3A_61] : memref<50x128xi32, #tpu.memory_space<vmem>> -> memref<1x128xi32, #tpu.memory_space<vmem>>
        %dma_start3A_63 = tpu.memref_squeeze %dma_start3A_62 : memref<1x128xi32, #tpu.memory_space<vmem>> -> memref<128xi32, #tpu.memory_space<vmem>>
        %dma_start3A_64 = arith.constant 0 : i32
        %dma_start3A_65 = arith.constant 0 : i32
        %dma_start3A_66 = tpu.memref_slice %arg2[%dma_start3A_64, %dma_start3A_65] : memref<100000x128xf32, #tpu.memory_space<hbm>> -> memref<100000x128xf32, #tpu.memory_space<hbm>>
        tpu.enqueue_indirect_dma source(%dma_start3A_66 : memref<100000x128xf32, #tpu.memory_space<hbm>>) target(%arg7 : memref<128x128xf32, #tpu.memory_space<vmem>>) offsets(%dma_start3A_63 : memref<128xi32, #tpu.memory_space<vmem>>) semaphore(%arg9 : memref<!tpu.dma_semaphore, #tpu.memory_space<semaphore_mem>>)
      } else {
      }
      %eq3A_49 = arith.constant 0 : i32
      %eq3A_50 = arith.cmpi eq, %arg0, %eq3A_49 : i32
      %convert_element_type3A_51 = arith.extui %eq3A_50 : i1 to i32
      %cond3A_52 = arith.constant 0 : i32
      %cond3A_53 = arith.cmpi ne, %convert_element_type3A_51, %cond3A_52 : i32
      scf.if %cond3A_53 {
        %mul3A_59 = arith.constant 128 : i32
        %mul3A_60 = arith.muli %add3A_18, %mul3A_59 : i32
        %add3A_61 = arith.addi %mul3A_2, %mul3A_60 : i32
        "tpu.region"() ({
          %run_scoped3A = tpu.sem_alloc : memref<!tpu.dma_semaphore, #tpu.memory_space<semaphore_mem>>
          %dma_start3A_62 = arith.constant 0 : i32
          %dma_start3A_63 = tpu.memref_slice %arg4[%add3A_61, %dma_start3A_62] : memref<102400x128xf32, #tpu.memory_space<hbm>> -> memref<128x128xf32, #tpu.memory_space<hbm>>
          %dma_start3A_64 = arith.constant 0 : i32
          %dma_start3A_65 = tpu.memref_slice %arg4[%add3A_61, %dma_start3A_64] : memref<102400x128xf32, #tpu.memory_space<hbm>> -> memref<128x128xf32, #tpu.memory_space<hbm>>
          tpu.enqueue_dma source(%arg8 : memref<128x128xf32, #tpu.memory_space<vmem>>) target(%dma_start3A_65 : memref<128x128xf32, #tpu.memory_space<hbm>>) target_semaphore(%run_scoped3A : memref<!tpu.dma_semaphore, #tpu.memory_space<semaphore_mem>>)
          %dma_wait3A_66 = arith.constant 0 : i32
          %dma_wait3A_67 = tpu.memref_slice %arg4[%add3A_61, %dma_wait3A_66] : memref<102400x128xf32, #tpu.memory_space<hbm>> -> memref<128x128xf32, #tpu.memory_space<hbm>>
          %dma_wait3A_68 = arith.constant 0 : i32
          %dma_wait3A_69 = tpu.memref_slice %arg4[%add3A_61, %dma_wait3A_68] : memref<102400x128xf32, #tpu.memory_space<hbm>> -> memref<128x128xf32, #tpu.memory_space<hbm>>
          tpu.wait_dma2 semaphore(%run_scoped3A : memref<!tpu.dma_semaphore, #tpu.memory_space<semaphore_mem>>) src(%arg8 : memref<128x128xf32, #tpu.memory_space<vmem>>) dst(%dma_wait3A_69 : memref<128x128xf32, #tpu.memory_space<hbm>>)
          tpu.yield
        }) : () -> ()
      } else {
      }
      %eq3A_54 = arith.constant 1 : i32
      %eq3A_55 = arith.cmpi eq, %arg0, %eq3A_54 : i32
      %convert_element_type3A_56 = arith.extui %eq3A_55 : i1 to i32
      %cond3A_57 = arith.constant 0 : i32
      %cond3A_58 = arith.cmpi ne, %convert_element_type3A_56, %cond3A_57 : i32
      scf.if %cond3A_58 {
        %mul3A_59 = arith.constant 128 : i32
        %mul3A_60 = arith.muli %add3A_18, %mul3A_59 : i32
        %add3A_61 = arith.addi %mul3A_2, %mul3A_60 : i32
        "tpu.region"() ({
          %run_scoped3A = tpu.sem_alloc : memref<!tpu.dma_semaphore, #tpu.memory_space<semaphore_mem>>
          %dma_start3A_62 = arith.constant 0 : i32
          %dma_start3A_63 = tpu.memref_slice %arg5[%add3A_61, %dma_start3A_62] : memref<102400x128xf32, #tpu.memory_space<hbm>> -> memref<128x128xf32, #tpu.memory_space<hbm>>
          %dma_start3A_64 = arith.constant 0 : i32
          %dma_start3A_65 = tpu.memref_slice %arg5[%add3A_61, %dma_start3A_64] : memref<102400x128xf32, #tpu.memory_space<hbm>> -> memref<128x128xf32, #tpu.memory_space<hbm>>
          tpu.enqueue_dma source(%arg8 : memref<128x128xf32, #tpu.memory_space<vmem>>) target(%dma_start3A_65 : memref<128x128xf32, #tpu.memory_space<hbm>>) target_semaphore(%run_scoped3A : memref<!tpu.dma_semaphore, #tpu.memory_space<semaphore_mem>>)
          %dma_wait3A_66 = arith.constant 0 : i32
          %dma_wait3A_67 = tpu.memref_slice %arg5[%add3A_61, %dma_wait3A_66] : memref<102400x128xf32, #tpu.memory_space<hbm>> -> memref<128x128xf32, #tpu.memory_space<hbm>>
          %dma_wait3A_68 = arith.constant 0 : i32
          %dma_wait3A_69 = tpu.memref_slice %arg5[%add3A_61, %dma_wait3A_68] : memref<102400x128xf32, #tpu.memory_space<hbm>> -> memref<128x128xf32, #tpu.memory_space<hbm>>
          tpu.wait_dma2 semaphore(%run_scoped3A : memref<!tpu.dma_semaphore, #tpu.memory_space<semaphore_mem>>) src(%arg8 : memref<128x128xf32, #tpu.memory_space<vmem>>) dst(%dma_wait3A_69 : memref<128x128xf32, #tpu.memory_space<hbm>>)
          tpu.yield
        }) : () -> ()
      } else {
      }
    }
    %scan3A_13 = arith.constant 25 : i32
    return
  }
}

module attributes {stable_mosaic.version = 14 : i64} {
  func.func @_tc2_body(%arg0: i32, %arg1: memref<1024x128xbf16, #tpu.memory_space<vmem>>, %arg2: memref<1x1x1024xi32, #tpu.memory_space<vmem>>, %arg3: memref<64x128xf32, #tpu.memory_space<vmem>>, %arg4: memref<64x128xf32, #tpu.memory_space<vmem>>, %arg5: memref<128x128xf32, #tpu.memory_space<vmem>>, %arg6: memref<128x128xf32, #tpu.memory_space<vmem>>, %arg7: memref<8x128xf32, #tpu.memory_space<vmem>>, %arg8: memref<1024x128xf32, #tpu.memory_space<vmem>>, %arg9: memref<64x128xf32, #tpu.memory_space<vmem>>) attributes {dimension_semantics = [#tpu.dimension_semantics<arbitrary>], iteration_bounds = array<i64: 98>, scalar_prefetch = 0 : i64, scratch_operands = 1 : i64, tpu.core_type = #tpu.core_type<tc>, window_params = [{transform_indices = @transform_0, window_bounds = array<i64: 1024, 128>}, {transform_indices = @transform_1, window_bounds = array<i64: 1, 1, 1024>}, {pipeline_mode = #tpu.pipeline_mode<synchronous>, transform_indices = @transform_2, window_bounds = array<i64: 64, 128>}, {pipeline_mode = #tpu.pipeline_mode<synchronous>, transform_indices = @transform_3, window_bounds = array<i64: 64, 128>}, {pipeline_mode = #tpu.pipeline_mode<synchronous>, transform_indices = @transform_4, window_bounds = array<i64: 128, 128>}, {pipeline_mode = #tpu.pipeline_mode<synchronous>, transform_indices = @transform_5, window_bounds = array<i64: 128, 128>}, {pipeline_mode = #tpu.pipeline_mode<synchronous>, transform_indices = @transform_6, window_bounds = array<i64: 8, 128>}, {transform_indices = @transform_7, window_bounds = array<i64: 1024, 128>}]} {
    %eq3A = arith.constant 0 : i32
    %eq3A_0 = arith.cmpi eq, %arg0, %eq3A : i32
    %convert_element_type3A = arith.extui %eq3A_0 : i1 to i32
    %cond3A = arith.constant 0 : i32
    %cond3A_1 = arith.cmpi ne, %convert_element_type3A, %cond3A : i32
    scf.if %cond3A_1 {
      %get3A_22 = arith.constant 0 : index
      %get3A_23 = arith.constant 0 : index
      %get3A_24 = vector.load %arg7[%get3A_22, %get3A_23] : memref<8x128xf32, #tpu.memory_space<vmem>>, vector<1x128xf32>
      %get3A_25 = arith.constant 1 : index
      %get3A_26 = arith.constant 0 : index
      %get3A_27 = vector.load %arg7[%get3A_25, %get3A_26] : memref<8x128xf32, #tpu.memory_space<vmem>>, vector<1x128xf32>
      %get3A_28 = arith.constant 2 : index
      %get3A_29 = arith.constant 0 : index
      %get3A_30 = vector.load %arg7[%get3A_28, %get3A_29] : memref<8x128xf32, #tpu.memory_space<vmem>>, vector<1x128xf32>
      %get3A_31 = arith.constant 3 : index
      %get3A_32 = arith.constant 0 : index
      %get3A_33 = vector.load %arg7[%get3A_31, %get3A_32] : memref<8x128xf32, #tpu.memory_space<vmem>>, vector<1x128xf32>
      %get3A_34 = arith.constant 0 : index
      %get3A_35 = arith.constant 0 : index
      %get3A_36 = vector.load %arg3[%get3A_34, %get3A_35] : memref<64x128xf32, #tpu.memory_space<vmem>>, vector<64x128xf32>
      %get3A_37 = arith.constant 0 : index
      %get3A_38 = arith.constant 0 : index
      %get3A_39 = vector.load %arg4[%get3A_37, %get3A_38] : memref<64x128xf32, #tpu.memory_space<vmem>>, vector<64x128xf32>
      %max3A = arith.constant 1.000000e+00 : f32
      %max3A_40 = vector.broadcast %max3A : f32 to vector<64x128xf32>
      %max3A_41 = arith.maximumf %get3A_39, %max3A_40 : vector<64x128xf32>
      %div3A = arith.divf %get3A_36, %max3A_41 : vector<64x128xf32>
      %get3A_42 = arith.constant 0 : index
      %get3A_43 = arith.constant 0 : index
      %get3A_44 = vector.load %arg5[%get3A_42, %get3A_43] : memref<128x128xf32, #tpu.memory_space<vmem>>, vector<128x128xf32>
      %dot_general3A_45 = arith.constant dense<0.000000e+00> : vector<64x128xf32>
      %dot_general3A_46 = tpu.matmul %div3A, %get3A_44, %dot_general3A_45 {dimension_numbers = #tpu.dot_dimension_numbers<[1], [0], [0], [1], [0, 0, 1, 1], [], []>, transpose_lhs_hint = false} : vector<64x128xf32>, vector<128x128xf32>, vector<64x128xf32> -> vector<64x128xf32>
      %add3A = vector.broadcast %get3A_24 : vector<1x128xf32> to vector<64x128xf32>
      %add3A_47 = arith.addf %dot_general3A_46, %add3A : vector<64x128xf32>
      %reduce_sum3A = arith.constant dense<0.000000e+00> : vector<64xf32>
      %reduce_sum3A_48 = vector.multi_reduction <add>, %add3A_47, %reduce_sum3A [1] : vector<64x128xf32> to vector<64xf32>
      %broadcast_in_dim3A_49 = vector.shape_cast %reduce_sum3A_48 : vector<64xf32> to vector<64x1xf32>
      %div3A_50 = arith.constant 1.280000e+02 : f32
      %div3A_51 = vector.broadcast %div3A_50 : f32 to vector<64x1xf32>
      %div3A_52 = arith.divf %broadcast_in_dim3A_49, %div3A_51 : vector<64x1xf32>
      %sub3A = vector.broadcast %div3A_52 : vector<64x1xf32> to vector<64x128xf32>
      %sub3A_53 = arith.subf %add3A_47, %sub3A : vector<64x128xf32>
      %mul3A_54 = arith.mulf %sub3A_53, %sub3A_53 : vector<64x128xf32>
      %reduce_sum3A_55 = arith.constant dense<0.000000e+00> : vector<64xf32>
      %reduce_sum3A_56 = vector.multi_reduction <add>, %mul3A_54, %reduce_sum3A_55 [1] : vector<64x128xf32> to vector<64xf32>
      %broadcast_in_dim3A_57 = vector.shape_cast %reduce_sum3A_56 : vector<64xf32> to vector<64x1xf32>
      %div3A_58 = arith.constant 1.280000e+02 : f32
      %div3A_59 = vector.broadcast %div3A_58 : f32 to vector<64x1xf32>
      %div3A_60 = arith.divf %broadcast_in_dim3A_57, %div3A_59 : vector<64x1xf32>
      %add3A_61 = arith.constant 9.99999974E-6 : f32
      %add3A_62 = vector.broadcast %add3A_61 : f32 to vector<64x1xf32>
      %add3A_63 = arith.addf %div3A_60, %add3A_62 : vector<64x1xf32>
      %rsqrt3A = math.rsqrt %add3A_63 : vector<64x1xf32>
      %mul3A_64 = vector.broadcast %rsqrt3A : vector<64x1xf32> to vector<64x128xf32>
      %mul3A_65 = arith.mulf %sub3A_53, %mul3A_64 : vector<64x128xf32>
      %mul3A_66 = vector.broadcast %get3A_27 : vector<1x128xf32> to vector<64x128xf32>
      %mul3A_67 = arith.mulf %mul3A_65, %mul3A_66 : vector<64x128xf32>
      %add3A_68 = vector.broadcast %get3A_30 : vector<1x128xf32> to vector<64x128xf32>
      %add3A_69 = arith.addf %mul3A_67, %add3A_68 : vector<64x128xf32>
      %mul3A_70 = arith.constant 5.000000e-01 : f32
      %mul3A_71 = vector.broadcast %mul3A_70 : f32 to vector<64x128xf32>
      %mul3A_72 = arith.mulf %mul3A_71, %add3A_69 : vector<64x128xf32>
      %div3A_73 = arith.constant 1.41421354 : f32
      %div3A_74 = vector.broadcast %div3A_73 : f32 to vector<64x128xf32>
      %div3A_75 = arith.divf %add3A_69, %div3A_74 : vector<64x128xf32>
      %erf3A = math.erf %div3A_75 : vector<64x128xf32>
      %add3A_76 = arith.constant 1.000000e+00 : f32
      %add3A_77 = vector.broadcast %add3A_76 : f32 to vector<64x128xf32>
      %add3A_78 = arith.addf %add3A_77, %erf3A : vector<64x128xf32>
      %mul3A_79 = arith.mulf %mul3A_72, %add3A_78 : vector<64x128xf32>
      %get3A_80 = arith.constant 0 : index
      %get3A_81 = arith.constant 0 : index
      %get3A_82 = vector.load %arg6[%get3A_80, %get3A_81] : memref<128x128xf32, #tpu.memory_space<vmem>>, vector<128x128xf32>
      %dot_general3A_83 = arith.constant dense<0.000000e+00> : vector<64x128xf32>
      %dot_general3A_84 = tpu.matmul %mul3A_79, %get3A_82, %dot_general3A_83 {dimension_numbers = #tpu.dot_dimension_numbers<[1], [0], [0], [1], [0, 0, 1, 1], [], []>, transpose_lhs_hint = false} : vector<64x128xf32>, vector<128x128xf32>, vector<64x128xf32> -> vector<64x128xf32>
      %add3A_85 = vector.broadcast %get3A_33 : vector<1x128xf32> to vector<64x128xf32>
      %add3A_86 = arith.addf %dot_general3A_84, %add3A_85 : vector<64x128xf32>
      %neg3A = arith.constant 0.000000e+00 : f32
      %neg3A_87 = vector.broadcast %neg3A : f32 to vector<64x128xf32>
      %neg3A_88 = arith.subf %neg3A_87, %add3A_86 : vector<64x128xf32>
      %exp3A = math.exp %neg3A_88 : vector<64x128xf32>
      %add3A_89 = arith.constant 1.000000e+00 : f32
      %add3A_90 = vector.broadcast %add3A_89 : f32 to vector<64x128xf32>
      %add3A_91 = arith.addf %add3A_90, %exp3A : vector<64x128xf32>
      %div3A_92 = arith.constant 1.000000e+00 : f32
      %div3A_93 = vector.broadcast %div3A_92 : f32 to vector<64x128xf32>
      %div3A_94 = arith.divf %div3A_93, %add3A_91 : vector<64x128xf32>
      %swap3A_95 = arith.constant 0 : index
      %swap3A_96 = arith.constant 0 : index
      %swap3A_97 = vector.load %arg9[%swap3A_95, %swap3A_96] : memref<64x128xf32, #tpu.memory_space<vmem>>, vector<64x128xf32>
      tpu.vector_store %arg9[%swap3A_95, %swap3A_96], %div3A_94 {strides = array<i32>} : memref<64x128xf32, #tpu.memory_space<vmem>>, vector<64x128xf32>,
    } else {
    }
    %get3A = arith.constant 0 : index
    %get3A_2 = arith.constant 0 : index
    %get3A_3 = arith.constant 0 : index
    %get3A_4 = vector.load %arg2[%get3A, %get3A_2, %get3A_3] : memref<1x1x1024xi32, #tpu.memory_space<vmem>>, vector<1x1x1024xi32>
    %get3A_5 = vector.shape_cast %get3A_4 : vector<1x1x1024xi32> to vector<1x1024xi32>
    %iota3A = tpu.iota {dimensions = array<i32: 0>} : vector<64x1024xi32>
    %eq3A_6 = vector.broadcast %get3A_5 : vector<1x1024xi32> to vector<64x1024xi32>
    %eq3A_7 = arith.cmpi eq, %iota3A, %eq3A_6 : vector<64x1024xi32>
    %jit3A = arith.constant 1.000000e+00 : f32
    %jit3A_8 = arith.constant 0.000000e+00 : f32
    %broadcast_in_dim3A = vector.broadcast %jit3A : f32 to vector<64x1024xf32>
    %broadcast_in_dim3A_9 = vector.broadcast %jit3A_8 : f32 to vector<64x1024xf32>
    %select_n3A = arith.select %eq3A_7, %broadcast_in_dim3A, %broadcast_in_dim3A_9 : vector<64x1024xi1>, vector<64x1024xf32>
    %convert_element_type3A_10 = arith.truncf %select_n3A : vector<64x1024xf32> to vector<64x1024xbf16>
    %get3A_11 = arith.constant 0 : index
    %get3A_12 = arith.constant 0 : index
    %get3A_13 = vector.load %arg9[%get3A_11, %get3A_12] : memref<64x128xf32, #tpu.memory_space<vmem>>, vector<64x128xf32>
    %convert_element_type3A_14 = arith.truncf %get3A_13 : vector<64x128xf32> to vector<64x128xbf16>
    %dot_general3A = arith.constant dense<0.000000e+00> : vector<1024x128xf32>
    %dot_general3A_15 = tpu.matmul %convert_element_type3A_10, %convert_element_type3A_14, %dot_general3A {dimension_numbers = #tpu.dot_dimension_numbers<[0], [0], [1], [1], [0, 1, 1, 1], [], []>, transpose_lhs_hint = false} : vector<64x1024xbf16>, vector<64x128xbf16>, vector<1024x128xf32> -> vector<1024x128xf32>
    %get3A_16 = arith.constant 0 : index
    %get3A_17 = arith.constant 0 : index
    %get3A_18 = vector.load %arg1[%get3A_16, %get3A_17] : memref<1024x128xbf16, #tpu.memory_space<vmem>>, vector<1024x128xbf16>
    %convert_element_type3A_19 = arith.extf %get3A_18 : vector<1024x128xbf16> to vector<1024x128xf32>
    %mul3A = arith.mulf %convert_element_type3A_19, %dot_general3A_15 : vector<1024x128xf32>
    %swap3A = arith.constant 0 : index
    %swap3A_20 = arith.constant 0 : index
    %swap3A_21 = vector.load %arg8[%swap3A, %swap3A_20] : memref<1024x128xf32, #tpu.memory_space<vmem>>, vector<1024x128xf32>
    tpu.vector_store %arg8[%swap3A, %swap3A_20], %mul3A {strides = array<i32>} : memref<1024x128xf32, #tpu.memory_space<vmem>>, vector<1024x128xf32>,
    return
  }
  func.func @transform_0(%arg0: i32) -> (i32, i32) {
    %c0_i32 = arith.constant 0 : i32
    %c0_i32_0 = arith.constant 0 : i32
    return %arg0, %c0_i32 : i32, i32
  }
  func.func @transform_1(%arg0: i32) -> (i32, i32, i32) {
    %c0_i32 = arith.constant 0 : i32
    %c0_i32_0 = arith.constant 0 : i32
    %c0_i32_1 = arith.constant 0 : i32
    return %arg0, %c0_i32, %c0_i32_0 : i32, i32, i32
  }
  func.func @transform_2(%arg0: i32) -> (i32, i32) {
    %c0_i32 = arith.constant 0 : i32
    %c0_i32_0 = arith.constant 0 : i32
    %c0_i32_1 = arith.constant 0 : i32
    return %c0_i32, %c0_i32_0 : i32, i32
  }
  func.func @transform_3(%arg0: i32) -> (i32, i32) {
    %c0_i32 = arith.constant 0 : i32
    %c0_i32_0 = arith.constant 0 : i32
    %c0_i32_1 = arith.constant 0 : i32
    return %c0_i32, %c0_i32_0 : i32, i32
  }
  func.func @transform_4(%arg0: i32) -> (i32, i32) {
    %c0_i32 = arith.constant 0 : i32
    %c0_i32_0 = arith.constant 0 : i32
    %c0_i32_1 = arith.constant 0 : i32
    return %c0_i32, %c0_i32_0 : i32, i32
  }
  func.func @transform_5(%arg0: i32) -> (i32, i32) {
    %c0_i32 = arith.constant 0 : i32
    %c0_i32_0 = arith.constant 0 : i32
    %c0_i32_1 = arith.constant 0 : i32
    return %c0_i32, %c0_i32_0 : i32, i32
  }
  func.func @transform_6(%arg0: i32) -> (i32, i32) {
    %c0_i32 = arith.constant 0 : i32
    %c0_i32_0 = arith.constant 0 : i32
    %c0_i32_1 = arith.constant 0 : i32
    return %c0_i32, %c0_i32_0 : i32, i32
  }
  func.func @transform_7(%arg0: i32) -> (i32, i32) {
    %c0_i32 = arith.constant 0 : i32
    %c0_i32_0 = arith.constant 0 : i32
    return %arg0, %c0_i32 : i32, i32
  }
}

module attributes {stable_mosaic.version = 14 : i64} {
  func.func @_tc1_body(%arg0: i32, %arg1: memref<1024x128xf32, #tpu.memory_space<vmem>>, %arg2: memref<1024x128xf32, #tpu.memory_space<vmem>>, %arg3: memref<1024x128xf32, #tpu.memory_space<vmem>>, %arg4: memref<1024x128xf32, #tpu.memory_space<vmem>>, %arg5: memref<1x1x1024xi32, #tpu.memory_space<vmem>>, %arg6: memref<128x128xbf16, #tpu.memory_space<vmem>>, %arg7: memref<128x128xbf16, #tpu.memory_space<vmem>>, %arg8: memref<128x128xbf16, #tpu.memory_space<vmem>>, %arg9: memref<128x128xbf16, #tpu.memory_space<vmem>>, %arg10: memref<128x128xbf16, #tpu.memory_space<vmem>>, %arg11: memref<128x128xbf16, #tpu.memory_space<vmem>>, %arg12: memref<128x128xbf16, #tpu.memory_space<vmem>>, %arg13: memref<128x128xbf16, #tpu.memory_space<vmem>>, %arg14: memref<128x256xbf16, #tpu.memory_space<vmem>>, %arg15: memref<128x256xbf16, #tpu.memory_space<vmem>>, %arg16: memref<256x128xbf16, #tpu.memory_space<vmem>>, %arg17: memref<16x128xf32, #tpu.memory_space<vmem>>, %arg18: memref<8x256xf32, #tpu.memory_space<vmem>>, %arg19: memref<1024x128xbf16, #tpu.memory_space<vmem>>, %arg20: memref<1024x128xf32, #tpu.memory_space<vmem>>, %arg21: memref<64x128xf32, #tpu.memory_space<vmem>>, %arg22: memref<64x128xf32, #tpu.memory_space<vmem>>, %arg23: memref<64x128xf32, #tpu.memory_space<vmem>>, %arg24: memref<64x128xf32, #tpu.memory_space<vmem>>) attributes {dimension_semantics = [#tpu.dimension_semantics<arbitrary>], iteration_bounds = array<i64: 98>, scalar_prefetch = 0 : i64, scratch_operands = 2 : i64, tpu.core_type = #tpu.core_type<tc>, window_params = [{transform_indices = @transform_0, window_bounds = array<i64: 1024, 128>}, {transform_indices = @transform_1, window_bounds = array<i64: 1024, 128>}, {transform_indices = @transform_2, window_bounds = array<i64: 1024, 128>}, {transform_indices = @transform_3, window_bounds = array<i64: 1024, 128>}, {transform_indices = @transform_4, window_bounds = array<i64: 1, 1, 1024>}, {pipeline_mode = #tpu.pipeline_mode<synchronous>, transform_indices = @transform_5, window_bounds = array<i64: 128, 128>}, {pipeline_mode = #tpu.pipeline_mode<synchronous>, transform_indices = @transform_6, window_bounds = array<i64: 128, 128>}, {pipeline_mode = #tpu.pipeline_mode<synchronous>, transform_indices = @transform_7, window_bounds = array<i64: 128, 128>}, {pipeline_mode = #tpu.pipeline_mode<synchronous>, transform_indices = @transform_8, window_bounds = array<i64: 128, 128>}, {pipeline_mode = #tpu.pipeline_mode<synchronous>, transform_indices = @transform_9, window_bounds = array<i64: 128, 128>}, {pipeline_mode = #tpu.pipeline_mode<synchronous>, transform_indices = @transform_10, window_bounds = array<i64: 128, 128>}, {pipeline_mode = #tpu.pipeline_mode<synchronous>, transform_indices = @transform_11, window_bounds = array<i64: 128, 128>}, {pipeline_mode = #tpu.pipeline_mode<synchronous>, transform_indices = @transform_12, window_bounds = array<i64: 128, 128>}, {pipeline_mode = #tpu.pipeline_mode<synchronous>, transform_indices = @transform_13, window_bounds = array<i64: 128, 256>}, {pipeline_mode = #tpu.pipeline_mode<synchronous>, transform_indices = @transform_14, window_bounds = array<i64: 128, 256>}, {pipeline_mode = #tpu.pipeline_mode<synchronous>, transform_indices = @transform_15, window_bounds = array<i64: 256, 128>}, {pipeline_mode = #tpu.pipeline_mode<synchronous>, transform_indices = @transform_16, window_bounds = array<i64: 16, 128>}, {pipeline_mode = #tpu.pipeline_mode<synchronous>, transform_indices = @transform_17, window_bounds = array<i64: 8, 256>}, {transform_indices = @transform_18, window_bounds = array<i64: 1024, 128>}, {transform_indices = @transform_19, window_bounds = array<i64: 1024, 128>}, {pipeline_mode = #tpu.pipeline_mode<synchronous>, transform_indices = @transform_20, window_bounds = array<i64: 64, 128>}, {pipeline_mode = #tpu.pipeline_mode<synchronous>, transform_indices = @transform_21, window_bounds = array<i64: 64, 128>}]} {
    %get3A = arith.constant 0 : index
    %get3A_0 = arith.constant 0 : index
    %get3A_1 = vector.load %arg1[%get3A, %get3A_0] : memref<1024x128xf32, #tpu.memory_space<vmem>>, vector<1024x128xf32>
    %get3A_2 = arith.constant 0 : index
    %get3A_3 = arith.constant 0 : index
    %get3A_4 = vector.load %arg2[%get3A_2, %get3A_3] : memref<1024x128xf32, #tpu.memory_space<vmem>>, vector<1024x128xf32>
    %get3A_5 = arith.constant 0 : index
    %get3A_6 = arith.constant 0 : index
    %get3A_7 = vector.load %arg3[%get3A_5, %get3A_6] : memref<1024x128xf32, #tpu.memory_space<vmem>>, vector<1024x128xf32>
    %get3A_8 = arith.constant 0 : index
    %get3A_9 = arith.constant 0 : index
    %get3A_10 = vector.load %arg4[%get3A_8, %get3A_9] : memref<1024x128xf32, #tpu.memory_space<vmem>>, vector<1024x128xf32>
    %get3A_11 = arith.constant 0 : index
    %get3A_12 = arith.constant 0 : index
    %get3A_13 = vector.load %arg17[%get3A_11, %get3A_12] : memref<16x128xf32, #tpu.memory_space<vmem>>, vector<1x128xf32>
    %get3A_14 = arith.constant 1 : index
    %get3A_15 = arith.constant 0 : index
    %get3A_16 = vector.load %arg17[%get3A_14, %get3A_15] : memref<16x128xf32, #tpu.memory_space<vmem>>, vector<1x128xf32>
    %get3A_17 = arith.constant 2 : index
    %get3A_18 = arith.constant 0 : index
    %get3A_19 = vector.load %arg17[%get3A_17, %get3A_18] : memref<16x128xf32, #tpu.memory_space<vmem>>, vector<1x128xf32>
    %get3A_20 = arith.constant 3 : index
    %get3A_21 = arith.constant 0 : index
    %get3A_22 = vector.load %arg17[%get3A_20, %get3A_21] : memref<16x128xf32, #tpu.memory_space<vmem>>, vector<1x128xf32>
    %get3A_23 = arith.constant 4 : index
    %get3A_24 = arith.constant 0 : index
    %get3A_25 = vector.load %arg17[%get3A_23, %get3A_24] : memref<16x128xf32, #tpu.memory_space<vmem>>, vector<1x128xf32>
    %get3A_26 = arith.constant 5 : index
    %get3A_27 = arith.constant 0 : index
    %get3A_28 = vector.load %arg17[%get3A_26, %get3A_27] : memref<16x128xf32, #tpu.memory_space<vmem>>, vector<1x128xf32>
    %get3A_29 = arith.constant 6 : index
    %get3A_30 = arith.constant 0 : index
    %get3A_31 = vector.load %arg17[%get3A_29, %get3A_30] : memref<16x128xf32, #tpu.memory_space<vmem>>, vector<1x128xf32>
    %get3A_32 = arith.constant 7 : index
    %get3A_33 = arith.constant 0 : index
    %get3A_34 = vector.load %arg17[%get3A_32, %get3A_33] : memref<16x128xf32, #tpu.memory_space<vmem>>, vector<1x128xf32>
    %get3A_35 = arith.constant 8 : index
    %get3A_36 = arith.constant 0 : index
    %get3A_37 = vector.load %arg17[%get3A_35, %get3A_36] : memref<16x128xf32, #tpu.memory_space<vmem>>, vector<1x128xf32>
    %get3A_38 = arith.constant 9 : index
    %get3A_39 = arith.constant 0 : index
    %get3A_40 = vector.load %arg17[%get3A_38, %get3A_39] : memref<16x128xf32, #tpu.memory_space<vmem>>, vector<1x128xf32>
    %get3A_41 = arith.constant 10 : index
    %get3A_42 = arith.constant 0 : index
    %get3A_43 = vector.load %arg17[%get3A_41, %get3A_42] : memref<16x128xf32, #tpu.memory_space<vmem>>, vector<1x128xf32>
    %get3A_44 = arith.constant 11 : index
    %get3A_45 = arith.constant 0 : index
    %get3A_46 = vector.load %arg17[%get3A_44, %get3A_45] : memref<16x128xf32, #tpu.memory_space<vmem>>, vector<1x128xf32>
    %get3A_47 = arith.constant 12 : index
    %get3A_48 = arith.constant 0 : index
    %get3A_49 = vector.load %arg17[%get3A_47, %get3A_48] : memref<16x128xf32, #tpu.memory_space<vmem>>, vector<1x128xf32>
    %get3A_50 = arith.constant 0 : index
    %get3A_51 = arith.constant 0 : index
    %get3A_52 = vector.load %arg18[%get3A_50, %get3A_51] : memref<8x256xf32, #tpu.memory_space<vmem>>, vector<1x256xf32>
    %get3A_53 = arith.constant 1 : index
    %get3A_54 = arith.constant 0 : index
    %get3A_55 = vector.load %arg18[%get3A_53, %get3A_54] : memref<8x256xf32, #tpu.memory_space<vmem>>, vector<1x256xf32>
    %get3A_56 = arith.constant 2 : index
    %get3A_57 = arith.constant 0 : index
    %get3A_58 = vector.load %arg18[%get3A_56, %get3A_57] : memref<8x256xf32, #tpu.memory_space<vmem>>, vector<1x256xf32>
    %broadcast_in_dim3A = arith.constant 7.812500e-03 : bf16
    %broadcast_in_dim3A_59 = vector.broadcast %broadcast_in_dim3A : bf16 to vector<128x128xbf16>
    %broadcast_in_dim3A_60 = arith.constant 3.906250e-03 : bf16
    %broadcast_in_dim3A_61 = vector.broadcast %broadcast_in_dim3A_60 : bf16 to vector<256x256xbf16>
    %convert_element_type3A = arith.truncf %get3A_1 : vector<1024x128xf32> to vector<1024x128xbf16>
    %convert_element_type3A_62 = arith.truncf %get3A_4 : vector<1024x128xf32> to vector<1024x128xbf16>
    %convert_element_type3A_63 = arith.truncf %get3A_7 : vector<1024x128xf32> to vector<1024x128xbf16>
    %get3A_64 = arith.constant 0 : index
    %get3A_65 = arith.constant 0 : index
    %get3A_66 = vector.load %arg6[%get3A_64, %get3A_65] : memref<128x128xbf16, #tpu.memory_space<vmem>>, vector<128x128xbf16>
    %dot_general3A = arith.constant dense<0.000000e+00> : vector<1024x128xf32>
    %dot_general3A_67 = tpu.matmul %convert_element_type3A_62, %get3A_66, %dot_general3A {dimension_numbers = #tpu.dot_dimension_numbers<[1], [0], [0], [1], [0, 0, 1, 1], [], []>, transpose_lhs_hint = false} : vector<1024x128xbf16>, vector<128x128xbf16>, vector<1024x128xf32> -> vector<1024x128xf32>
    %add3A = vector.broadcast %get3A_13 : vector<1x128xf32> to vector<1024x128xf32>
    %add3A_68 = arith.addf %dot_general3A_67, %add3A : vector<1024x128xf32>
    %get3A_69 = arith.constant 0 : index
    %get3A_70 = arith.constant 0 : index
    %get3A_71 = vector.load %arg7[%get3A_69, %get3A_70] : memref<128x128xbf16, #tpu.memory_space<vmem>>, vector<128x128xbf16>
    %dot_general3A_72 = arith.constant dense<0.000000e+00> : vector<1024x128xf32>
    %dot_general3A_73 = tpu.matmul %convert_element_type3A, %get3A_71, %dot_general3A_72 {dimension_numbers = #tpu.dot_dimension_numbers<[1], [0], [0], [1], [0, 0, 1, 1], [], []>, transpose_lhs_hint = false} : vector<1024x128xbf16>, vector<128x128xbf16>, vector<1024x128xf32> -> vector<1024x128xf32>
    %add3A_74 = vector.broadcast %get3A_16 : vector<1x128xf32> to vector<1024x128xf32>
    %add3A_75 = arith.addf %dot_general3A_73, %add3A_74 : vector<1024x128xf32>
    %get3A_76 = arith.constant 0 : index
    %get3A_77 = arith.constant 0 : index
    %get3A_78 = vector.load %arg8[%get3A_76, %get3A_77] : memref<128x128xbf16, #tpu.memory_space<vmem>>, vector<128x128xbf16>
    %dot_general3A_79 = arith.constant dense<0.000000e+00> : vector<1024x128xf32>
    %dot_general3A_80 = tpu.matmul %convert_element_type3A, %get3A_78, %dot_general3A_79 {dimension_numbers = #tpu.dot_dimension_numbers<[1], [0], [0], [1], [0, 0, 1, 1], [], []>, transpose_lhs_hint = false} : vector<1024x128xbf16>, vector<128x128xbf16>, vector<1024x128xf32> -> vector<1024x128xf32>
    %add3A_81 = vector.broadcast %get3A_19 : vector<1x128xf32> to vector<1024x128xf32>
    %add3A_82 = arith.addf %dot_general3A_80, %add3A_81 : vector<1024x128xf32>
    %iota3A = tpu.iota {dimensions = array<i32: 0>} : vector<128x8xi32>
    %jit3A = arith.constant 16 : i32
    %div3A = vector.broadcast %jit3A : i32 to vector<128x8xi32>
    %div3A_83 = arith.divsi %iota3A, %div3A : vector<128x8xi32>
    %sign3A = arith.constant 0 : i32
    %sign3A_84 = vector.broadcast %sign3A : i32 to vector<128x8xi32>
    %sign3A_85 = arith.cmpi sgt, %iota3A, %sign3A_84 : vector<128x8xi32>
    %sign3A_86 = arith.extui %sign3A_85 : vector<128x8xi1> to vector<128x8xi32>
    %sign3A_87 = arith.constant 0 : i32
    %sign3A_88 = vector.broadcast %sign3A_87 : i32 to vector<128x8xi32>
    %sign3A_89 = arith.cmpi slt, %iota3A, %sign3A_88 : vector<128x8xi32>
    %sign3A_90 = arith.extui %sign3A_89 : vector<128x8xi1> to vector<128x8xi32>
    %sign3A_91 = arith.subi %sign3A_86, %sign3A_90 : vector<128x8xi32>
    %sign3A_92 = arith.constant 0 : i32
    %sign3A_93 = arith.cmpi sgt, %jit3A, %sign3A_92 : i32
    %sign3A_94 = arith.extui %sign3A_93 : i1 to i32
    %sign3A_95 = arith.constant 0 : i32
    %sign3A_96 = arith.cmpi slt, %jit3A, %sign3A_95 : i32
    %sign3A_97 = arith.extui %sign3A_96 : i1 to i32
    %sign3A_98 = arith.subi %sign3A_94, %sign3A_97 : i32
    %ne3A = vector.broadcast %sign3A_98 : i32 to vector<128x8xi32>
    %ne3A_99 = arith.cmpi ne, %sign3A_91, %ne3A : vector<128x8xi32>
    %rem3A = vector.broadcast %jit3A : i32 to vector<128x8xi32>
    %rem3A_100 = arith.remsi %iota3A, %rem3A : vector<128x8xi32>
    %ne3A_101 = arith.constant 0 : i32
    %ne3A_102 = vector.broadcast %ne3A_101 : i32 to vector<128x8xi32>
    %ne3A_103 = arith.cmpi ne, %rem3A_100, %ne3A_102 : vector<128x8xi32>
    %and3A = arith.andi %ne3A_99, %ne3A_103 : vector<128x8xi1>
    %sub3A = arith.constant 1 : i32
    %sub3A_104 = vector.broadcast %sub3A : i32 to vector<128x8xi32>
    %sub3A_105 = arith.subi %div3A_83, %sub3A_104 : vector<128x8xi32>
    %select_n3A = arith.select %and3A, %sub3A_105, %div3A_83 : vector<128x8xi1>, vector<128x8xi32>
    %iota3A_106 = tpu.iota {dimensions = array<i32: 1>} : vector<128x8xi32>
    %eq3A = arith.cmpi eq, %select_n3A, %iota3A_106 : vector<128x8xi32>
    %jit3A_107 = arith.constant 2.500000e-01 : f32
    %jit3A_108 = arith.constant 0.000000e+00 : f32
    %broadcast_in_dim3A_109 = vector.broadcast %jit3A_107 : f32 to vector<128x8xf32>
    %broadcast_in_dim3A_110 = vector.broadcast %jit3A_108 : f32 to vector<128x8xf32>
    %select_n3A_111 = arith.select %eq3A, %broadcast_in_dim3A_109, %broadcast_in_dim3A_110 : vector<128x8xi1>, vector<128x8xf32>
    %convert_element_type3A_112 = arith.truncf %select_n3A_111 : vector<128x8xf32> to vector<128x8xbf16>
    %mul3A = arith.mulf %add3A_68, %add3A_75 : vector<1024x128xf32>
    %convert_element_type3A_113 = arith.truncf %mul3A : vector<1024x128xf32> to vector<1024x128xbf16>
    %dot_general3A_114 = arith.constant dense<0.000000e+00> : vector<1024x8xf32>
    %dot_general3A_115 = tpu.matmul %convert_element_type3A_113, %convert_element_type3A_112, %dot_general3A_114 {dimension_numbers = #tpu.dot_dimension_numbers<[1], [0], [0], [1], [0, 0, 1, 1], [], []>, transpose_lhs_hint = false} : vector<1024x128xbf16>, vector<128x8xbf16>, vector<1024x8xf32> -> vector<1024x8xf32>
    %reduce_max3A = arith.constant dense<0xFF800000> : vector<1024xf32>
    %reduce_max3A_116 = vector.multi_reduction <maximumf>, %dot_general3A_115, %reduce_max3A [1] : vector<1024x8xf32> to vector<1024xf32>
    %broadcast_in_dim3A_117 = vector.shape_cast %reduce_max3A_116 : vector<1024xf32> to vector<1024x1xf32>
    %sub3A_118 = vector.broadcast %broadcast_in_dim3A_117 : vector<1024x1xf32> to vector<1024x8xf32>
    %sub3A_119 = arith.subf %dot_general3A_115, %sub3A_118 : vector<1024x8xf32>
    %exp3A = math.exp %sub3A_119 : vector<1024x8xf32>
    %reduce_sum3A = arith.constant dense<0.000000e+00> : vector<1024xf32>
    %reduce_sum3A_120 = vector.multi_reduction <add>, %exp3A, %reduce_sum3A [1] : vector<1024x8xf32> to vector<1024xf32>
    %broadcast_in_dim3A_121 = vector.shape_cast %reduce_sum3A_120 : vector<1024xf32> to vector<1024x1xf32>
    %div3A_122 = vector.broadcast %broadcast_in_dim3A_121 : vector<1024x1xf32> to vector<1024x8xf32>
    %div3A_123 = arith.divf %exp3A, %div3A_122 : vector<1024x8xf32>
    %iota3A_124 = tpu.iota {dimensions = array<i32: 0>} : vector<8x128xi32>
    %iota3A_125 = tpu.iota {dimensions = array<i32: 1>} : vector<8x128xi32>
    %jit3A_126 = arith.constant 16 : i32
    %div3A_127 = vector.broadcast %jit3A_126 : i32 to vector<8x128xi32>
    %div3A_128 = arith.divsi %iota3A_125, %div3A_127 : vector<8x128xi32>
    %sign3A_129 = arith.constant 0 : i32
    %sign3A_130 = vector.broadcast %sign3A_129 : i32 to vector<8x128xi32>
    %sign3A_131 = arith.cmpi sgt, %iota3A_125, %sign3A_130 : vector<8x128xi32>
    %sign3A_132 = arith.extui %sign3A_131 : vector<8x128xi1> to vector<8x128xi32>
    %sign3A_133 = arith.constant 0 : i32
    %sign3A_134 = vector.broadcast %sign3A_133 : i32 to vector<8x128xi32>
    %sign3A_135 = arith.cmpi slt, %iota3A_125, %sign3A_134 : vector<8x128xi32>
    %sign3A_136 = arith.extui %sign3A_135 : vector<8x128xi1> to vector<8x128xi32>
    %sign3A_137 = arith.subi %sign3A_132, %sign3A_136 : vector<8x128xi32>
    %sign3A_138 = arith.constant 0 : i32
    %sign3A_139 = arith.cmpi sgt, %jit3A_126, %sign3A_138 : i32
    %sign3A_140 = arith.extui %sign3A_139 : i1 to i32
    %sign3A_141 = arith.constant 0 : i32
    %sign3A_142 = arith.cmpi slt, %jit3A_126, %sign3A_141 : i32
    %sign3A_143 = arith.extui %sign3A_142 : i1 to i32
    %sign3A_144 = arith.subi %sign3A_140, %sign3A_143 : i32
    %ne3A_145 = vector.broadcast %sign3A_144 : i32 to vector<8x128xi32>
    %ne3A_146 = arith.cmpi ne, %sign3A_137, %ne3A_145 : vector<8x128xi32>
    %rem3A_147 = vector.broadcast %jit3A_126 : i32 to vector<8x128xi32>
    %rem3A_148 = arith.remsi %iota3A_125, %rem3A_147 : vector<8x128xi32>
    %ne3A_149 = arith.constant 0 : i32
    %ne3A_150 = vector.broadcast %ne3A_149 : i32 to vector<8x128xi32>
    %ne3A_151 = arith.cmpi ne, %rem3A_148, %ne3A_150 : vector<8x128xi32>
    %and3A_152 = arith.andi %ne3A_146, %ne3A_151 : vector<8x128xi1>
    %sub3A_153 = arith.constant 1 : i32
    %sub3A_154 = vector.broadcast %sub3A_153 : i32 to vector<8x128xi32>
    %sub3A_155 = arith.subi %div3A_128, %sub3A_154 : vector<8x128xi32>
    %select_n3A_156 = arith.select %and3A_152, %sub3A_155, %div3A_128 : vector<8x128xi1>, vector<8x128xi32>
    %eq3A_157 = arith.cmpi eq, %iota3A_124, %select_n3A_156 : vector<8x128xi32>
    %jit3A_158 = arith.constant 1.000000e+00 : f32
    %jit3A_159 = arith.constant 0.000000e+00 : f32
    %broadcast_in_dim3A_160 = vector.broadcast %jit3A_158 : f32 to vector<8x128xf32>
    %broadcast_in_dim3A_161 = vector.broadcast %jit3A_159 : f32 to vector<8x128xf32>
    %select_n3A_162 = arith.select %eq3A_157, %broadcast_in_dim3A_160, %broadcast_in_dim3A_161 : vector<8x128xi1>, vector<8x128xf32>
    %convert_element_type3A_163 = arith.truncf %select_n3A_162 : vector<8x128xf32> to vector<8x128xbf16>
    %convert_element_type3A_164 = arith.truncf %div3A_123 : vector<1024x8xf32> to vector<1024x8xbf16>
    %dot_general3A_165 = arith.constant dense<0.000000e+00> : vector<1024x128xf32>
    %dot_general3A_166 = tpu.matmul %convert_element_type3A_164, %convert_element_type3A_163, %dot_general3A_165 {dimension_numbers = #tpu.dot_dimension_numbers<[1], [0], [0], [1], [0, 0, 1, 1], [], []>, transpose_lhs_hint = false} : vector<1024x8xbf16>, vector<8x128xbf16>, vector<1024x128xf32> -> vector<1024x128xf32>
    %mul3A_167 = arith.mulf %dot_general3A_166, %add3A_82 : vector<1024x128xf32>
    %convert_element_type3A_168 = arith.truncf %mul3A_167 : vector<1024x128xf32> to vector<1024x128xbf16>
    %get3A_169 = arith.constant 0 : index
    %get3A_170 = arith.constant 0 : index
    %get3A_171 = vector.load %arg9[%get3A_169, %get3A_170] : memref<128x128xbf16, #tpu.memory_space<vmem>>, vector<128x128xbf16>
    %dot_general3A_172 = arith.constant dense<0.000000e+00> : vector<1024x128xf32>
    %dot_general3A_173 = tpu.matmul %convert_element_type3A_168, %get3A_171, %dot_general3A_172 {dimension_numbers = #tpu.dot_dimension_numbers<[1], [0], [0], [1], [0, 0, 1, 1], [], []>, transpose_lhs_hint = false} : vector<1024x128xbf16>, vector<128x128xbf16>, vector<1024x128xf32> -> vector<1024x128xf32>
    %add3A_174 = vector.broadcast %get3A_22 : vector<1x128xf32> to vector<1024x128xf32>
    %add3A_175 = arith.addf %dot_general3A_173, %add3A_174 : vector<1024x128xf32>
    %get3A_176 = arith.constant 0 : index
    %get3A_177 = arith.constant 0 : index
    %get3A_178 = vector.load %arg10[%get3A_176, %get3A_177] : memref<128x128xbf16, #tpu.memory_space<vmem>>, vector<128x128xbf16>
    %dot_general3A_179 = arith.constant dense<0.000000e+00> : vector<1024x128xf32>
    %dot_general3A_180 = tpu.matmul %convert_element_type3A, %get3A_178, %dot_general3A_179 {dimension_numbers = #tpu.dot_dimension_numbers<[1], [0], [0], [1], [0, 0, 1, 1], [], []>, transpose_lhs_hint = false} : vector<1024x128xbf16>, vector<128x128xbf16>, vector<1024x128xf32> -> vector<1024x128xf32>
    %get3A_181 = arith.constant 0 : index
    %get3A_182 = arith.constant 0 : index
    %get3A_183 = vector.load %arg11[%get3A_181, %get3A_182] : memref<128x128xbf16, #tpu.memory_space<vmem>>, vector<128x128xbf16>
    %dot_general3A_184 = arith.constant dense<0.000000e+00> : vector<1024x128xf32>
    %dot_general3A_185 = tpu.matmul %convert_element_type3A_63, %get3A_183, %dot_general3A_184 {dimension_numbers = #tpu.dot_dimension_numbers<[1], [0], [0], [1], [0, 0, 1, 1], [], []>, transpose_lhs_hint = false} : vector<1024x128xbf16>, vector<128x128xbf16>, vector<1024x128xf32> -> vector<1024x128xf32>
    %add3A_186 = arith.addf %dot_general3A_180, %dot_general3A_185 : vector<1024x128xf32>
    %get3A_187 = arith.constant 0 : index
    %get3A_188 = arith.constant 0 : index
    %get3A_189 = vector.load %arg12[%get3A_187, %get3A_188] : memref<128x128xbf16, #tpu.memory_space<vmem>>, vector<128x128xbf16>
    %dot_general3A_190 = arith.constant dense<0.000000e+00> : vector<1024x128xf32>
    %dot_general3A_191 = tpu.matmul %convert_element_type3A_62, %get3A_189, %dot_general3A_190 {dimension_numbers = #tpu.dot_dimension_numbers<[1], [0], [0], [1], [0, 0, 1, 1], [], []>, transpose_lhs_hint = false} : vector<1024x128xbf16>, vector<128x128xbf16>, vector<1024x128xf32> -> vector<1024x128xf32>
    %add3A_192 = arith.addf %add3A_186, %dot_general3A_191 : vector<1024x128xf32>
    %add3A_193 = vector.broadcast %get3A_25 : vector<1x128xf32> to vector<1024x128xf32>
    %add3A_194 = arith.addf %add3A_192, %add3A_193 : vector<1024x128xf32>
    %convert_element_type3A_195 = arith.truncf %add3A_194 : vector<1024x128xf32> to vector<1024x128xbf16>
    %dot_general3A_196 = arith.constant dense<0.000000e+00> : vector<1024x128xf32>
    %dot_general3A_197 = tpu.matmul %convert_element_type3A_195, %broadcast_in_dim3A_59, %dot_general3A_196 {dimension_numbers = #tpu.dot_dimension_numbers<[1], [0], [0], [1], [0, 0, 1, 1], [], []>, transpose_lhs_hint = false} : vector<1024x128xbf16>, vector<128x128xbf16>, vector<1024x128xf32> -> vector<1024x128xf32>
    %mul3A_198 = arith.mulf %add3A_194, %add3A_194 : vector<1024x128xf32>
    %convert_element_type3A_199 = arith.truncf %mul3A_198 : vector<1024x128xf32> to vector<1024x128xbf16>
    %dot_general3A_200 = arith.constant dense<0.000000e+00> : vector<1024x128xf32>
    %dot_general3A_201 = tpu.matmul %convert_element_type3A_199, %broadcast_in_dim3A_59, %dot_general3A_200 {dimension_numbers = #tpu.dot_dimension_numbers<[1], [0], [0], [1], [0, 0, 1, 1], [], []>, transpose_lhs_hint = false} : vector<1024x128xbf16>, vector<128x128xbf16>, vector<1024x128xf32> -> vector<1024x128xf32>
    %mul3A_202 = arith.mulf %dot_general3A_197, %dot_general3A_197 : vector<1024x128xf32>
    %sub3A_203 = arith.subf %dot_general3A_201, %mul3A_202 : vector<1024x128xf32>
    %sub3A_204 = arith.subf %add3A_194, %dot_general3A_197 : vector<1024x128xf32>
    %add3A_205 = arith.constant 9.99999974E-6 : f32
    %add3A_206 = vector.broadcast %add3A_205 : f32 to vector<1024x128xf32>
    %add3A_207 = arith.addf %sub3A_203, %add3A_206 : vector<1024x128xf32>
    %rsqrt3A = math.rsqrt %add3A_207 : vector<1024x128xf32>
    %mul3A_208 = arith.mulf %sub3A_204, %rsqrt3A : vector<1024x128xf32>
    %mul3A_209 = vector.broadcast %get3A_28 : vector<1x128xf32> to vector<1024x128xf32>
    %mul3A_210 = arith.mulf %mul3A_208, %mul3A_209 : vector<1024x128xf32>
    %add3A_211 = vector.broadcast %get3A_31 : vector<1x128xf32> to vector<1024x128xf32>
    %add3A_212 = arith.addf %mul3A_210, %add3A_211 : vector<1024x128xf32>
    %mul3A_213 = arith.constant 5.000000e-01 : f32
    %mul3A_214 = vector.broadcast %mul3A_213 : f32 to vector<1024x128xf32>
    %mul3A_215 = arith.mulf %mul3A_214, %add3A_212 : vector<1024x128xf32>
    %div3A_216 = arith.constant 1.41421354 : f32
    %div3A_217 = vector.broadcast %div3A_216 : f32 to vector<1024x128xf32>
    %div3A_218 = arith.divf %add3A_212, %div3A_217 : vector<1024x128xf32>
    %erf3A = math.erf %div3A_218 : vector<1024x128xf32>
    %add3A_219 = arith.constant 1.000000e+00 : f32
    %add3A_220 = vector.broadcast %add3A_219 : f32 to vector<1024x128xf32>
    %add3A_221 = arith.addf %add3A_220, %erf3A : vector<1024x128xf32>
    %mul3A_222 = arith.mulf %mul3A_215, %add3A_221 : vector<1024x128xf32>
    %convert_element_type3A_223 = arith.truncf %mul3A_222 : vector<1024x128xf32> to vector<1024x128xbf16>
    %get3A_224 = arith.constant 0 : index
    %get3A_225 = arith.constant 0 : index
    %get3A_226 = vector.load %arg13[%get3A_224, %get3A_225] : memref<128x128xbf16, #tpu.memory_space<vmem>>, vector<128x128xbf16>
    %dot_general3A_227 = arith.constant dense<0.000000e+00> : vector<1024x128xf32>
    %dot_general3A_228 = tpu.matmul %convert_element_type3A_223, %get3A_226, %dot_general3A_227 {dimension_numbers = #tpu.dot_dimension_numbers<[1], [0], [0], [1], [0, 0, 1, 1], [], []>, transpose_lhs_hint = false} : vector<1024x128xbf16>, vector<128x128xbf16>, vector<1024x128xf32> -> vector<1024x128xf32>
    %add3A_229 = vector.broadcast %get3A_34 : vector<1x128xf32> to vector<1024x128xf32>
    %add3A_230 = arith.addf %dot_general3A_228, %add3A_229 : vector<1024x128xf32>
    %add3A_231 = arith.addf %get3A_7, %add3A_230 : vector<1024x128xf32>
    %convert_element_type3A_232 = arith.truncf %add3A_231 : vector<1024x128xf32> to vector<1024x128xbf16>
    %dot_general3A_233 = arith.constant dense<0.000000e+00> : vector<1024x128xf32>
    %dot_general3A_234 = tpu.matmul %convert_element_type3A_232, %broadcast_in_dim3A_59, %dot_general3A_233 {dimension_numbers = #tpu.dot_dimension_numbers<[1], [0], [0], [1], [0, 0, 1, 1], [], []>, transpose_lhs_hint = false} : vector<1024x128xbf16>, vector<128x128xbf16>, vector<1024x128xf32> -> vector<1024x128xf32>
    %mul3A_235 = arith.mulf %add3A_231, %add3A_231 : vector<1024x128xf32>
    %convert_element_type3A_236 = arith.truncf %mul3A_235 : vector<1024x128xf32> to vector<1024x128xbf16>
    %dot_general3A_237 = arith.constant dense<0.000000e+00> : vector<1024x128xf32>
    %dot_general3A_238 = tpu.matmul %convert_element_type3A_236, %broadcast_in_dim3A_59, %dot_general3A_237 {dimension_numbers = #tpu.dot_dimension_numbers<[1], [0], [0], [1], [0, 0, 1, 1], [], []>, transpose_lhs_hint = false} : vector<1024x128xbf16>, vector<128x128xbf16>, vector<1024x128xf32> -> vector<1024x128xf32>
    %mul3A_239 = arith.mulf %dot_general3A_234, %dot_general3A_234 : vector<1024x128xf32>
    %sub3A_240 = arith.subf %dot_general3A_238, %mul3A_239 : vector<1024x128xf32>
    %sub3A_241 = arith.subf %add3A_231, %dot_general3A_234 : vector<1024x128xf32>
    %add3A_242 = arith.constant 9.99999974E-6 : f32
    %add3A_243 = vector.broadcast %add3A_242 : f32 to vector<1024x128xf32>
    %add3A_244 = arith.addf %sub3A_240, %add3A_243 : vector<1024x128xf32>
    %rsqrt3A_245 = math.rsqrt %add3A_244 : vector<1024x128xf32>
    %mul3A_246 = arith.mulf %sub3A_241, %rsqrt3A_245 : vector<1024x128xf32>
    %mul3A_247 = vector.broadcast %get3A_37 : vector<1x128xf32> to vector<1024x128xf32>
    %mul3A_248 = arith.mulf %mul3A_246, %mul3A_247 : vector<1024x128xf32>
    %add3A_249 = vector.broadcast %get3A_40 : vector<1x128xf32> to vector<1024x128xf32>
    %add3A_250 = arith.addf %mul3A_248, %add3A_249 : vector<1024x128xf32>
    %swap3A = arith.constant 0 : index
    %swap3A_251 = arith.constant 0 : index
    %swap3A_252 = vector.load %arg20[%swap3A, %swap3A_251] : memref<1024x128xf32, #tpu.memory_space<vmem>>, vector<1024x128xf32>
    tpu.vector_store %arg20[%swap3A, %swap3A_251], %add3A_250 {strides = array<i32>} : memref<1024x128xf32, #tpu.memory_space<vmem>>, vector<1024x128xf32>,
    %convert_element_type3A_253 = arith.truncf %add3A_175 : vector<1024x128xf32> to vector<1024x128xbf16>
    %get3A_254 = arith.constant 0 : index
    %get3A_255 = arith.constant 0 : index
    %get3A_256 = vector.load %arg14[%get3A_254, %get3A_255] : memref<128x256xbf16, #tpu.memory_space<vmem>>, vector<128x256xbf16>
    %dot_general3A_257 = arith.constant dense<0.000000e+00> : vector<1024x256xf32>
    %dot_general3A_258 = tpu.matmul %convert_element_type3A_253, %get3A_256, %dot_general3A_257 {dimension_numbers = #tpu.dot_dimension_numbers<[1], [0], [0], [1], [0, 0, 1, 1], [], []>, transpose_lhs_hint = false} : vector<1024x128xbf16>, vector<128x256xbf16>, vector<1024x256xf32> -> vector<1024x256xf32>
    %get3A_259 = arith.constant 0 : index
    %get3A_260 = arith.constant 0 : index
    %get3A_261 = vector.load %arg15[%get3A_259, %get3A_260] : memref<128x256xbf16, #tpu.memory_space<vmem>>, vector<128x256xbf16>
    %dot_general3A_262 = arith.constant dense<0.000000e+00> : vector<1024x256xf32>
    %dot_general3A_263 = tpu.matmul %convert_element_type3A_62, %get3A_261, %dot_general3A_262 {dimension_numbers = #tpu.dot_dimension_numbers<[1], [0], [0], [1], [0, 0, 1, 1], [], []>, transpose_lhs_hint = false} : vector<1024x128xbf16>, vector<128x256xbf16>, vector<1024x256xf32> -> vector<1024x256xf32>
    %add3A_264 = arith.addf %dot_general3A_258, %dot_general3A_263 : vector<1024x256xf32>
    %add3A_265 = vector.broadcast %get3A_52 : vector<1x256xf32> to vector<1024x256xf32>
    %add3A_266 = arith.addf %add3A_264, %add3A_265 : vector<1024x256xf32>
    %convert_element_type3A_267 = arith.truncf %add3A_266 : vector<1024x256xf32> to vector<1024x256xbf16>
    %dot_general3A_268 = arith.constant dense<0.000000e+00> : vector<1024x256xf32>
    %dot_general3A_269 = tpu.matmul %convert_element_type3A_267, %broadcast_in_dim3A_61, %dot_general3A_268 {dimension_numbers = #tpu.dot_dimension_numbers<[1], [0], [0], [1], [0, 0, 1, 1], [], []>, transpose_lhs_hint = false} : vector<1024x256xbf16>, vector<256x256xbf16>, vector<1024x256xf32> -> vector<1024x256xf32>
    %mul3A_270 = arith.mulf %add3A_266, %add3A_266 : vector<1024x256xf32>
    %convert_element_type3A_271 = arith.truncf %mul3A_270 : vector<1024x256xf32> to vector<1024x256xbf16>
    %dot_general3A_272 = arith.constant dense<0.000000e+00> : vector<1024x256xf32>
    %dot_general3A_273 = tpu.matmul %convert_element_type3A_271, %broadcast_in_dim3A_61, %dot_general3A_272 {dimension_numbers = #tpu.dot_dimension_numbers<[1], [0], [0], [1], [0, 0, 1, 1], [], []>, transpose_lhs_hint = false} : vector<1024x256xbf16>, vector<256x256xbf16>, vector<1024x256xf32> -> vector<1024x256xf32>
    %mul3A_274 = arith.mulf %dot_general3A_269, %dot_general3A_269 : vector<1024x256xf32>
    %sub3A_275 = arith.subf %dot_general3A_273, %mul3A_274 : vector<1024x256xf32>
    %sub3A_276 = arith.subf %add3A_266, %dot_general3A_269 : vector<1024x256xf32>
    %add3A_277 = arith.constant 9.99999974E-6 : f32
    %add3A_278 = vector.broadcast %add3A_277 : f32 to vector<1024x256xf32>
    %add3A_279 = arith.addf %sub3A_275, %add3A_278 : vector<1024x256xf32>
    %rsqrt3A_280 = math.rsqrt %add3A_279 : vector<1024x256xf32>
    %mul3A_281 = arith.mulf %sub3A_276, %rsqrt3A_280 : vector<1024x256xf32>
    %mul3A_282 = vector.broadcast %get3A_55 : vector<1x256xf32> to vector<1024x256xf32>
    %mul3A_283 = arith.mulf %mul3A_281, %mul3A_282 : vector<1024x256xf32>
    %add3A_284 = vector.broadcast %get3A_58 : vector<1x256xf32> to vector<1024x256xf32>
    %add3A_285 = arith.addf %mul3A_283, %add3A_284 : vector<1024x256xf32>
    %mul3A_286 = arith.constant 5.000000e-01 : f32
    %mul3A_287 = vector.broadcast %mul3A_286 : f32 to vector<1024x256xf32>
    %mul3A_288 = arith.mulf %mul3A_287, %add3A_285 : vector<1024x256xf32>
    %div3A_289 = arith.constant 1.41421354 : f32
    %div3A_290 = vector.broadcast %div3A_289 : f32 to vector<1024x256xf32>
    %div3A_291 = arith.divf %add3A_285, %div3A_290 : vector<1024x256xf32>
    %erf3A_292 = math.erf %div3A_291 : vector<1024x256xf32>
    %add3A_293 = arith.constant 1.000000e+00 : f32
    %add3A_294 = vector.broadcast %add3A_293 : f32 to vector<1024x256xf32>
    %add3A_295 = arith.addf %add3A_294, %erf3A_292 : vector<1024x256xf32>
    %mul3A_296 = arith.mulf %mul3A_288, %add3A_295 : vector<1024x256xf32>
    %convert_element_type3A_297 = arith.truncf %mul3A_296 : vector<1024x256xf32> to vector<1024x256xbf16>
    %get3A_298 = arith.constant 0 : index
    %get3A_299 = arith.constant 0 : index
    %get3A_300 = vector.load %arg16[%get3A_298, %get3A_299] : memref<256x128xbf16, #tpu.memory_space<vmem>>, vector<256x128xbf16>
    %dot_general3A_301 = arith.constant dense<0.000000e+00> : vector<1024x128xf32>
    %dot_general3A_302 = tpu.matmul %convert_element_type3A_297, %get3A_300, %dot_general3A_301 {dimension_numbers = #tpu.dot_dimension_numbers<[1], [0], [0], [1], [0, 0, 1, 1], [], []>, transpose_lhs_hint = false} : vector<1024x256xbf16>, vector<256x128xbf16>, vector<1024x128xf32> -> vector<1024x128xf32>
    %add3A_303 = vector.broadcast %get3A_43 : vector<1x128xf32> to vector<1024x128xf32>
    %add3A_304 = arith.addf %dot_general3A_302, %add3A_303 : vector<1024x128xf32>
    %add3A_305 = arith.addf %get3A_10, %add3A_304 : vector<1024x128xf32>
    %convert_element_type3A_306 = arith.truncf %add3A_305 : vector<1024x128xf32> to vector<1024x128xbf16>
    %dot_general3A_307 = arith.constant dense<0.000000e+00> : vector<1024x128xf32>
    %dot_general3A_308 = tpu.matmul %convert_element_type3A_306, %broadcast_in_dim3A_59, %dot_general3A_307 {dimension_numbers = #tpu.dot_dimension_numbers<[1], [0], [0], [1], [0, 0, 1, 1], [], []>, transpose_lhs_hint = false} : vector<1024x128xbf16>, vector<128x128xbf16>, vector<1024x128xf32> -> vector<1024x128xf32>
    %mul3A_309 = arith.mulf %add3A_305, %add3A_305 : vector<1024x128xf32>
    %convert_element_type3A_310 = arith.truncf %mul3A_309 : vector<1024x128xf32> to vector<1024x128xbf16>
    %dot_general3A_311 = arith.constant dense<0.000000e+00> : vector<1024x128xf32>
    %dot_general3A_312 = tpu.matmul %convert_element_type3A_310, %broadcast_in_dim3A_59, %dot_general3A_311 {dimension_numbers = #tpu.dot_dimension_numbers<[1], [0], [0], [1], [0, 0, 1, 1], [], []>, transpose_lhs_hint = false} : vector<1024x128xbf16>, vector<128x128xbf16>, vector<1024x128xf32> -> vector<1024x128xf32>
    %mul3A_313 = arith.mulf %dot_general3A_308, %dot_general3A_308 : vector<1024x128xf32>
    %sub3A_314 = arith.subf %dot_general3A_312, %mul3A_313 : vector<1024x128xf32>
    %sub3A_315 = arith.subf %add3A_305, %dot_general3A_308 : vector<1024x128xf32>
    %add3A_316 = arith.constant 9.99999974E-6 : f32
    %add3A_317 = vector.broadcast %add3A_316 : f32 to vector<1024x128xf32>
    %add3A_318 = arith.addf %sub3A_314, %add3A_317 : vector<1024x128xf32>
    %rsqrt3A_319 = math.rsqrt %add3A_318 : vector<1024x128xf32>
    %mul3A_320 = arith.mulf %sub3A_315, %rsqrt3A_319 : vector<1024x128xf32>
    %mul3A_321 = vector.broadcast %get3A_46 : vector<1x128xf32> to vector<1024x128xf32>
    %mul3A_322 = arith.mulf %mul3A_320, %mul3A_321 : vector<1024x128xf32>
    %add3A_323 = vector.broadcast %get3A_49 : vector<1x128xf32> to vector<1024x128xf32>
    %add3A_324 = arith.addf %mul3A_322, %add3A_323 : vector<1024x128xf32>
    %convert_element_type3A_325 = arith.truncf %add3A_324 : vector<1024x128xf32> to vector<1024x128xbf16>
    %swap3A_326 = arith.constant 0 : index
    %swap3A_327 = arith.constant 0 : index
    %swap3A_328 = vector.load %arg19[%swap3A_326, %swap3A_327] : memref<1024x128xbf16, #tpu.memory_space<vmem>>, vector<1024x128xbf16>
    tpu.vector_store %arg19[%swap3A_326, %swap3A_327], %convert_element_type3A_325 {strides = array<i32>} : memref<1024x128xbf16, #tpu.memory_space<vmem>>, vector<1024x128xbf16>,
    %get3A_329 = arith.constant 0 : index
    %get3A_330 = arith.constant 0 : index
    %get3A_331 = arith.constant 0 : index
    %get3A_332 = vector.load %arg5[%get3A_329, %get3A_330, %get3A_331] : memref<1x1x1024xi32, #tpu.memory_space<vmem>>, vector<1x1x1024xi32>
    %get3A_333 = vector.shape_cast %get3A_332 : vector<1x1x1024xi32> to vector<1x1024xi32>
    %iota3A_334 = tpu.iota {dimensions = array<i32: 0>} : vector<64x1024xi32>
    %iota3A_335 = tpu.iota {dimensions = array<i32: 1>} : vector<64x1024xi32>
    %mul3A_336 = arith.constant 1024 : i32
    %mul3A_337 = arith.muli %arg0, %mul3A_336 : i32
    %add3A_338 = vector.broadcast %mul3A_337 : i32 to vector<64x1024xi32>
    %add3A_339 = arith.addi %iota3A_335, %add3A_338 : vector<64x1024xi32>
    %lt3A = arith.constant 100000 : i32
    %lt3A_340 = vector.broadcast %lt3A : i32 to vector<64x1024xi32>
    %lt3A_341 = arith.cmpi slt, %add3A_339, %lt3A_340 : vector<64x1024xi32>
    %eq3A_342 = vector.broadcast %get3A_333 : vector<1x1024xi32> to vector<64x1024xi32>
    %eq3A_343 = arith.cmpi eq, %iota3A_334, %eq3A_342 : vector<64x1024xi32>
    %and3A_344 = arith.andi %eq3A_343, %lt3A_341 : vector<64x1024xi1>
    %jit3A_345 = arith.constant 1.000000e+00 : f32
    %jit3A_346 = arith.constant 0.000000e+00 : f32
    %broadcast_in_dim3A_347 = vector.broadcast %jit3A_345 : f32 to vector<64x1024xf32>
    %broadcast_in_dim3A_348 = vector.broadcast %jit3A_346 : f32 to vector<64x1024xf32>
    %select_n3A_349 = arith.select %and3A_344, %broadcast_in_dim3A_347, %broadcast_in_dim3A_348 : vector<64x1024xi1>, vector<64x1024xf32>
    %eq3A_350 = arith.constant 0 : i32
    %eq3A_351 = arith.cmpi eq, %arg0, %eq3A_350 : i32
    %convert_element_type3A_352 = arith.extui %eq3A_351 : i1 to i32
    %cond3A = arith.constant 0 : i32
    %cond3A_353 = arith.cmpi ne, %convert_element_type3A_352, %cond3A : i32
    scf.if %cond3A_353 {
      %broadcast_in_dim3A_380 = arith.constant 0.000000e+00 : f32
      %broadcast_in_dim3A_381 = vector.broadcast %broadcast_in_dim3A_380 : f32 to vector<64x128xf32>
      %swap3A_382 = arith.constant 0 : index
      %swap3A_383 = arith.constant 0 : index
      %swap3A_384 = vector.load %arg23[%swap3A_382, %swap3A_383] : memref<64x128xf32, #tpu.memory_space<vmem>>, vector<64x128xf32>
      tpu.vector_store %arg23[%swap3A_382, %swap3A_383], %broadcast_in_dim3A_381 {strides = array<i32>} : memref<64x128xf32, #tpu.memory_space<vmem>>, vector<64x128xf32>,
      %broadcast_in_dim3A_385 = arith.constant 0.000000e+00 : f32
      %broadcast_in_dim3A_386 = vector.broadcast %broadcast_in_dim3A_385 : f32 to vector<64x128xf32>
      %swap3A_387 = arith.constant 0 : index
      %swap3A_388 = arith.constant 0 : index
      %swap3A_389 = vector.load %arg24[%swap3A_387, %swap3A_388] : memref<64x128xf32, #tpu.memory_space<vmem>>, vector<64x128xf32>
      tpu.vector_store %arg24[%swap3A_387, %swap3A_388], %broadcast_in_dim3A_386 {strides = array<i32>} : memref<64x128xf32, #tpu.memory_space<vmem>>, vector<64x128xf32>,
    } else {
    }
    %get3A_354 = arith.constant 0 : index
    %get3A_355 = arith.constant 0 : index
    %get3A_356 = vector.load %arg23[%get3A_354, %get3A_355] : memref<64x128xf32, #tpu.memory_space<vmem>>, vector<64x128xf32>
    %convert_element_type3A_357 = arith.truncf %select_n3A_349 : vector<64x1024xf32> to vector<64x1024xbf16>
    %dot_general3A_358 = arith.constant dense<0.000000e+00> : vector<64x128xf32>
    %dot_general3A_359 = tpu.matmul %convert_element_type3A_357, %convert_element_type3A_325, %dot_general3A_358 {dimension_numbers = #tpu.dot_dimension_numbers<[1], [0], [0], [1], [0, 0, 1, 1], [], []>, transpose_lhs_hint = false} : vector<64x1024xbf16>, vector<1024x128xbf16>, vector<64x128xf32> -> vector<64x128xf32>
    %add3A_360 = arith.addf %get3A_356, %dot_general3A_359 : vector<64x128xf32>
    %swap3A_361 = arith.constant 0 : index
    %swap3A_362 = arith.constant 0 : index
    %swap3A_363 = vector.load %arg23[%swap3A_361, %swap3A_362] : memref<64x128xf32, #tpu.memory_space<vmem>>, vector<64x128xf32>
    tpu.vector_store %arg23[%swap3A_361, %swap3A_362], %add3A_360 {strides = array<i32>} : memref<64x128xf32, #tpu.memory_space<vmem>>, vector<64x128xf32>,
    %get3A_364 = arith.constant 0 : index
    %get3A_365 = arith.constant 0 : index
    %get3A_366 = vector.load %arg24[%get3A_364, %get3A_365] : memref<64x128xf32, #tpu.memory_space<vmem>>, vector<64x128xf32>
    %reduce_sum3A_367 = arith.constant dense<0.000000e+00> : vector<64xf32>
    %reduce_sum3A_368 = vector.multi_reduction <add>, %select_n3A_349, %reduce_sum3A_367 [1] : vector<64x1024xf32> to vector<64xf32>
    %broadcast_in_dim3A_369 = vector.shape_cast %reduce_sum3A_368 : vector<64xf32> to vector<64x1xf32>
    %add3A_370 = vector.broadcast %broadcast_in_dim3A_369 : vector<64x1xf32> to vector<64x128xf32>
    %add3A_371 = arith.addf %get3A_366, %add3A_370 : vector<64x128xf32>
    %swap3A_372 = arith.constant 0 : index
    %swap3A_373 = arith.constant 0 : index
    %swap3A_374 = vector.load %arg24[%swap3A_372, %swap3A_373] : memref<64x128xf32, #tpu.memory_space<vmem>>, vector<64x128xf32>
    tpu.vector_store %arg24[%swap3A_372, %swap3A_373], %add3A_371 {strides = array<i32>} : memref<64x128xf32, #tpu.memory_space<vmem>>, vector<64x128xf32>,
    %eq3A_375 = arith.constant 97 : i32
    %eq3A_376 = arith.cmpi eq, %arg0, %eq3A_375 : i32
    %convert_element_type3A_377 = arith.extui %eq3A_376 : i1 to i32
    %cond3A_378 = arith.constant 0 : i32
    %cond3A_379 = arith.cmpi ne, %convert_element_type3A_377, %cond3A_378 : i32
    scf.if %cond3A_379 {
      %get3A_380 = arith.constant 0 : index
      %get3A_381 = arith.constant 0 : index
      %get3A_382 = vector.load %arg23[%get3A_380, %get3A_381] : memref<64x128xf32, #tpu.memory_space<vmem>>, vector<64x128xf32>
      %swap3A_383 = arith.constant 0 : index
      %swap3A_384 = arith.constant 0 : index
      %swap3A_385 = vector.load %arg21[%swap3A_383, %swap3A_384] : memref<64x128xf32, #tpu.memory_space<vmem>>, vector<64x128xf32>
      tpu.vector_store %arg21[%swap3A_383, %swap3A_384], %get3A_382 {strides = array<i32>} : memref<64x128xf32, #tpu.memory_space<vmem>>, vector<64x128xf32>,
      %get3A_386 = arith.constant 0 : index
      %get3A_387 = arith.constant 0 : index
      %get3A_388 = vector.load %arg24[%get3A_386, %get3A_387] : memref<64x128xf32, #tpu.memory_space<vmem>>, vector<64x128xf32>
      %swap3A_389 = arith.constant 0 : index
      %swap3A_390 = arith.constant 0 : index
      %swap3A_391 = vector.load %arg22[%swap3A_389, %swap3A_390] : memref<64x128xf32, #tpu.memory_space<vmem>>, vector<64x128xf32>
      tpu.vector_store %arg22[%swap3A_389, %swap3A_390], %get3A_388 {strides = array<i32>} : memref<64x128xf32, #tpu.memory_space<vmem>>, vector<64x128xf32>,
    } else {
    }
    return
  }
  func.func @transform_0(%arg0: i32) -> (i32, i32) {
    %c0_i32 = arith.constant 0 : i32
    %c0_i32_0 = arith.constant 0 : i32
    return %arg0, %c0_i32 : i32, i32
  }
  func.func @transform_1(%arg0: i32) -> (i32, i32) {
    %c0_i32 = arith.constant 0 : i32
    %c0_i32_0 = arith.constant 0 : i32
    return %arg0, %c0_i32 : i32, i32
  }
  func.func @transform_2(%arg0: i32) -> (i32, i32) {
    %c0_i32 = arith.constant 0 : i32
    %c0_i32_0 = arith.constant 0 : i32
    return %arg0, %c0_i32 : i32, i32
  }
  func.func @transform_3(%arg0: i32) -> (i32, i32) {
    %c0_i32 = arith.constant 0 : i32
    %c0_i32_0 = arith.constant 0 : i32
    return %arg0, %c0_i32 : i32, i32
  }
  func.func @transform_4(%arg0: i32) -> (i32, i32, i32) {
    %c0_i32 = arith.constant 0 : i32
    %c0_i32_0 = arith.constant 0 : i32
    %c0_i32_1 = arith.constant 0 : i32
    return %arg0, %c0_i32, %c0_i32_0 : i32, i32, i32
  }
  func.func @transform_5(%arg0: i32) -> (i32, i32) {
    %c0_i32 = arith.constant 0 : i32
    %c0_i32_0 = arith.constant 0 : i32
    %c0_i32_1 = arith.constant 0 : i32
    return %c0_i32, %c0_i32_0 : i32, i32
  }
  func.func @transform_6(%arg0: i32) -> (i32, i32) {
    %c0_i32 = arith.constant 0 : i32
    %c0_i32_0 = arith.constant 0 : i32
    %c0_i32_1 = arith.constant 0 : i32
    return %c0_i32, %c0_i32_0 : i32, i32
  }
  func.func @transform_7(%arg0: i32) -> (i32, i32) {
    %c0_i32 = arith.constant 0 : i32
    %c0_i32_0 = arith.constant 0 : i32
    %c0_i32_1 = arith.constant 0 : i32
    return %c0_i32, %c0_i32_0 : i32, i32
  }
  func.func @transform_8(%arg0: i32) -> (i32, i32) {
    %c0_i32 = arith.constant 0 : i32
    %c0_i32_0 = arith.constant 0 : i32
    %c0_i32_1 = arith.constant 0 : i32
    return %c0_i32, %c0_i32_0 : i32, i32
  }
  func.func @transform_9(%arg0: i32) -> (i32, i32) {
    %c0_i32 = arith.constant 0 : i32
    %c0_i32_0 = arith.constant 0 : i32
    %c0_i32_1 = arith.constant 0 : i32
    return %c0_i32, %c0_i32_0 : i32, i32
  }
  func.func @transform_10(%arg0: i32) -> (i32, i32) {
    %c0_i32 = arith.constant 0 : i32
    %c0_i32_0 = arith.constant 0 : i32
    %c0_i32_1 = arith.constant 0 : i32
    return %c0_i32, %c0_i32_0 : i32, i32
  }
  func.func @transform_11(%arg0: i32) -> (i32, i32) {
    %c0_i32 = arith.constant 0 : i32
    %c0_i32_0 = arith.constant 0 : i32
    %c0_i32_1 = arith.constant 0 : i32
    return %c0_i32, %c0_i32_0 : i32, i32
  }
  func.func @transform_12(%arg0: i32) -> (i32, i32) {
    %c0_i32 = arith.constant 0 : i32
    %c0_i32_0 = arith.constant 0 : i32
    %c0_i32_1 = arith.constant 0 : i32
    return %c0_i32, %c0_i32_0 : i32, i32
  }
  func.func @transform_13(%arg0: i32) -> (i32, i32) {
    %c0_i32 = arith.constant 0 : i32
    %c0_i32_0 = arith.constant 0 : i32
    %c0_i32_1 = arith.constant 0 : i32
    return %c0_i32, %c0_i32_0 : i32, i32
  }
  func.func @transform_14(%arg0: i32) -> (i32, i32) {
    %c0_i32 = arith.constant 0 : i32
    %c0_i32_0 = arith.constant 0 : i32
    %c0_i32_1 = arith.constant 0 : i32
    return %c0_i32, %c0_i32_0 : i32, i32
  }
  func.func @transform_15(%arg0: i32) -> (i32, i32) {
    %c0_i32 = arith.constant 0 : i32
    %c0_i32_0 = arith.constant 0 : i32
    %c0_i32_1 = arith.constant 0 : i32
    return %c0_i32, %c0_i32_0 : i32, i32
  }
  func.func @transform_16(%arg0: i32) -> (i32, i32) {
    %c0_i32 = arith.constant 0 : i32
    %c0_i32_0 = arith.constant 0 : i32
    %c0_i32_1 = arith.constant 0 : i32
    return %c0_i32, %c0_i32_0 : i32, i32
  }
  func.func @transform_17(%arg0: i32) -> (i32, i32) {
    %c0_i32 = arith.constant 0 : i32
    %c0_i32_0 = arith.constant 0 : i32
    %c0_i32_1 = arith.constant 0 : i32
    return %c0_i32, %c0_i32_0 : i32, i32
  }
  func.func @transform_18(%arg0: i32) -> (i32, i32) {
    %c0_i32 = arith.constant 0 : i32
    %c0_i32_0 = arith.constant 0 : i32
    return %arg0, %c0_i32 : i32, i32
  }
  func.func @transform_19(%arg0: i32) -> (i32, i32) {
    %c0_i32 = arith.constant 0 : i32
    %c0_i32_0 = arith.constant 0 : i32
    return %arg0, %c0_i32 : i32, i32
  }
  func.func @transform_20(%arg0: i32) -> (i32, i32) {
    %c0_i32 = arith.constant 0 : i32
    %c0_i32_0 = arith.constant 0 : i32
    %c0_i32_1 = arith.constant 0 : i32
    return %c0_i32, %c0_i32_0 : i32, i32
  }
  func.func @transform_21(%arg0: i32) -> (i32, i32) {
    %c0_i32 = arith.constant 0 : i32
    %c0_i32_0 = arith.constant 0 : i32
    %c0_i32_1 = arith.constant 0 : i32
    return %c0_i32, %c0_i32_0 : i32, i32
  }
}

</mosaic_0001>

<sc_bundles>
// kernel: kernel.5.cloned.1.call-start
scs
__scs_entry_jumppad:
0x0: {  	(pc) =	sbr.rel $0x88, $3  }
0x1: {  	(tag) =	ssettag $0x0;
	lr =	simm.s32 $0x1  }
0x2: {  	[smem:$0x3F7F] =	sst lr;
	_ =	strace $0xD0000000  }
0x3: {  	_ = 	snop  }
0x4: {  	_ = 	snop  }
0x5: {  	_ = 	snop  }
0x6: {  	_ = 	snop  }
0x7: {  	_ = 	snop  }
__scs_overlays_trampoline_lowered:
0x8: {  	[smem:$0x3F8E] =	sst s0  }
0x9: {  	[smem:$0x3F8F] =	sst s1  }
0xa: {  	[smem:$0x3F90] =	sst s2  }
0xb: {  	[smem:$0x3F91] =	sst s3  }
0xc: {  	[smem:$0x3F92] =	sst s4  }
0xd: {  	[smem:$0x3F93] =	sst s5  }
0xe: {  	[smem:$0x3F94] =	sst s6  }
0xf: {  	[smem:$0x3F95] =	sst s7  }
0x10: {  	[smem:$0x3F96] =	sst s8  }
0x11: {  	[smem:$0x3F97] =	sst s9;
	s0 =	simm.s32 @!p0 $0x0  }
0x12: {  	s1 =	sld [smem:$0x3F7D];
	s0 =	simm.s32 @p0 $0x1  }
0x13: {  	[smem:$0x3F98] =	sst s0;
	s0 =	simm.s32 @!p1 $0x0  }
0x14: {  	s2 =	sld [smem:$0x3F7C];
	s0 =	simm.s32 @p1 $0x1  }
0x15: {  	[smem:$0x3F99] =	sst s0;
	s0 =	simm.s32 @!p2 $0x0  }
0x16: {  	s3 =	sld [smem:$0x3FDB];
	s0 =	simm.s32 @p2 $0x1  }
0x17: {  	s4 =	simm.s32 $0x1BF5;
	[smem:$0x3F9B] =	sst s0  }
0x18: {  	s0 =	sld [smem:$0x3F7E];
	_ =	swait.ge [sflag:s4], $0x0  }
0x19: {  	s7 =	sld [smem:$0x3F7F]  }
0x1a: {  	s8 =	sadd.s32 $0xFFFFE003, lr  }
0x1b: {  	s9 =	sadd.s32 $0xFFFFFEF7, lr;
	s5 =	simm.s32 $0xFFFFFFFF;
	p2 =	slt.u32 s8, $0xFFFFF086  }
0x1c: {  	p1 =	slt.u32 s9, $0xF7A;
	s5 =	simm.s32 @!p2 $0x0  }
0x1d: {  	s5 =	simm.s32 @p1 $0x1;
	p0 =	seq.s32 s7, s2  }
0x1e: {  	s7 =	smul.u32 @!p0 $0xF7A, s2;
	p2 =	seq.s32 @!p0 s5, $0x0  }
0x1f: {  	s9 =	smul.u32 $0xF7A, s1;
	s8 =	simm.s32 @!p0 $0x1BF5;
	p2 =	por !p2, p0  }
0x20: {  	[sflag:s8] =	ssyncset.s32 @!p0 $0xFFFFF086;
	s6 =	sadd.s32 @!p0 s3, s7;
	s7 =	simm.s32 @!p0 $0x108  }
0x21: {  	s3 =	sadd.s32 s3, s9;
	s6 =	sadd.s32 @!p0 $0x88, s6;
	s7 =	simm.s32 @p2 $0x1082  }
0x22: {  	[simem:s7], [sflag:s8] =	dma.local @!p0 [hbm:s6], $0xF7A  }
0x23: {  	s9 =	sor.u32 $0xD0000000, s2;
	s6 =	simm.s32 $0x108;
	_ =	swait.ge @!p0 [sflag:s8], $0x0  }
0x24: {  	s3 =	sadd.s32 $0x88, s3;
	s6 =	simm.s32 @!p1 $0x1082;
	[sflag:s4] =	ssyncset.s32 $0xFFFFF086  }
0x25: {  	[simem:s6], [sflag:s4] =	dma.local [hbm:s3], $0xF7A  }
0x26: {  	[smem:$0x3F7F] =	sst s1;
	(tag) =	ssettag s2;
	_ =	strace s9  }
0x27: {  	s1 =	sld [smem:$0x3F8F]  }
0x28: {  	s2 =	sld [smem:$0x3F90]  }
0x29: {  	s4 =	sld [smem:$0x3F92]  }
0x2a: {  	p0 =	seq.s32 s5, $0x0;
	s5 =	sld [smem:$0x3F93]  }
0x2b: {  	s6 =	sld [smem:$0x3F94]  }
0x2c: {  	s7 =	sld [smem:$0x3F95]  }
0x2d: {  	s3 =	simm.s32 $0x108;
	s8 =	sld [smem:$0x3F96]  }
0x2e: {  	s3 =	simm.s32 @!p0 $0x1082;
	s9 =	sld [smem:$0x3F97]  }
0x2f: {  	lr =	sadd.s32 s0, s3;
	s0 =	sld [smem:$0x3F8E]  }
0x30: {  	s3 =	sld [smem:$0x3F91]  }
0x31: {  	[smem:$0x3F9A] =	sst s10  }
0x32: {  	s10 =	sld [smem:$0x3F98];
	_ =	sdelay $0x3  }
0x33: {  	p0 =	seq.s32 s10, $0x1;
	s10 =	sld [smem:$0x3F9A];
	_ =	sdelay $0x3  }
0x34: {  	[smem:$0x3F9A] =	sst s10  }
0x35: {  	s10 =	sld [smem:$0x3F99];
	_ =	sdelay $0x3  }
0x36: {  	p1 =	seq.s32 s10, $0x1;
	s10 =	sld [smem:$0x3F9A];
	_ =	sdelay $0x3  }
0x37: {  	[smem:$0x3F9A] =	sst s10  }
0x38: {  	s10 =	sld [smem:$0x3F9B]  }
0x39: {  	_ = 	snop;
	(pc) =	sbr.ind lr, $3  }
0x3a: {  	_ = 	snop  }
0x3b: {  	_ = 	snop  }
0x3c: {  	p2 =	seq.s32 s10, $0x1;
	s10 =	sld [smem:$0x3F9A]  }
0x3d: {  	_ =	shalt  }
0x3e: {  	_ =	shalt  }
0x3f: {  	_ =	shalt  }
0x40: {  	_ =	shalt  }
0x41: {  	_ =	shalt  }
0x42: {  	_ =	shalt  }
0x43: {  	_ =	shalt  }
0x44: {  	_ =	shalt  }
0x45: {  	_ =	shalt  }
0x46: {  	_ =	shalt  }
0x47: {  	_ =	shalt  }
0x48: {  	_ =	shalt  }
0x49: {  	_ =	shalt  }
0x4a: {  	_ =	shalt  }
0x4b: {  	_ =	shalt  }
0x4c: {  	_ =	shalt  }
0x4d: {  	_ =	shalt  }
0x4e: {  	_ =	shalt  }
0x4f: {  	_ =	shalt  }
0x50: {  	_ =	shalt  }
0x51: {  	_ =	shalt  }
0x52: {  	_ =	shalt  }
0x53: {  	_ =	shalt  }
0x54: {  	_ =	shalt  }
0x55: {  	_ =	shalt  }
0x56: {  	_ =	shalt  }
0x57: {  	_ =	shalt  }
0x58: {  	_ =	shalt  }
0x59: {  	_ =	shalt  }
0x5a: {  	_ =	shalt  }
0x5b: {  	_ =	shalt  }
0x5c: {  	_ =	shalt  }
0x5d: {  	_ =	shalt  }
0x5e: {  	_ =	shalt  }
0x5f: {  	_ =	shalt  }
0x60: {  	_ =	shalt  }
0x61: {  	_ =	shalt  }
0x62: {  	_ =	shalt  }
0x63: {  	_ =	shalt  }
0x64: {  	_ =	shalt  }
0x65: {  	_ =	shalt  }
0x66: {  	_ =	shalt  }
0x67: {  	_ =	shalt  }
0x68: {  	_ =	shalt  }
0x69: {  	_ =	shalt  }
0x6a: {  	_ =	shalt  }
0x6b: {  	_ =	shalt  }
0x6c: {  	_ =	shalt  }
0x6d: {  	_ =	shalt  }
0x6e: {  	_ =	shalt  }
0x6f: {  	_ =	shalt  }
0x70: {  	_ =	shalt  }
0x71: {  	_ =	shalt  }
0x72: {  	_ =	shalt  }
0x73: {  	_ =	shalt  }
0x74: {  	_ =	shalt  }
0x75: {  	_ =	shalt  }
0x76: {  	_ =	shalt  }
0x77: {  	_ =	shalt  }
0x78: {  	_ =	shalt  }
0x79: {  	_ =	shalt  }
0x7a: {  	_ =	shalt  }
0x7b: {  	_ =	shalt  }
0x7c: {  	_ =	shalt  }
0x7d: {  	_ =	shalt  }
0x7e: {  	_ =	shalt  }
0x7f: {  	_ =	shalt  }
0x80: {  	_ =	shalt  }
0x81: {  	_ =	shalt  }
0x82: {  	_ =	shalt  }
0x83: {  	_ =	shalt  }
0x84: {  	_ =	shalt  }
0x85: {  	_ =	shalt  }
0x86: {  	_ =	shalt  }
0x87: {  	_ =	shalt  }
.Lfunc_end0:
.L_simem_size_0:
called_computation_lowered:
.L_overlay_start_0:
0x88: {  	s2 =	sld [smem:$0x3FD9]  }
0x89: {  	s3 =	sld [smem:$0x3FFE];
	_ =	sdelay $0x1  }
0x8a: {  	s1 =	srdreg.scid  }
0x8b: {  	s0 =	sand.u32 $0x1, s1  }
0x8c: {  	s14 =	sshll.u32 s0, $0xA;
	s2 =	sadd.s32 s3, s2  }
0x8d: {  	s2 =	sadd.s32 s2, s14  }
0x8e: {  	[smem:$0x3FA6] =	sst s2  }
0x8f: {  	_ = 	snop  }
0x90: {  	s2 =	sld [smem:$0x3FD0];
	_ =	sdelay $0x2  }
0x91: {  	s4 =	simm.s32 $0xA;
	s5 =	simm.s32 $0x10;
	s15 =	sld [smem:$0x3FC9]  }
0x92: {  	[smem:s5], [sflag:s4] =	dma.local [hbm:s2], $0x1  }
0x93: {  	_ =	swait.eq [sflag:s4], $0x1  }
0x94: {  	[sflag:s4] =	ssyncset.done $0x0  }
0x95: {  	[sflag:s4] =	ssyncadd.s32 $0xFFFFFFFF  }
0x96: {  	s16 =	sld [smem:$0x10];
	(tm) =	ssettm $0x1  }
0x97: {  	s17 =	sld [smem:$0x3FFB];
	_ =	sdelay $0x3  }
0x98: {  	_ =	strace s17  }
0x99: {  	s4 =	sld [smem:$0x3FFC];
	_ =	sdelay $0x3  }
0x9a: {  	_ =	strace s4  }
0x9b: {  	s4 =	sld [smem:$0x3FFD];
	_ =	sdelay $0x3  }
0x9c: {  	_ =	strace s4  }
0x9d: {  	_ =	strace $0x8FFFFFFF  }
0x9e: {  	s18 =	sld [smem:$0x3FDB];
	_ =	sdelay $0x1  }
0x9f: {  	s19 =	simm.s32 $_scs_section_size  }
0xa0: {  	s6 =	simm.s32 $_size__tile_overlayer_lowered;
	s7 =	simm.s32 $_tile_overlayer_lowered  }
0xa1: {  	s22 =	simm.s32 $0x1BFF;
	s21 =	sshll.u32 s7, $0x1;
	s4 =	sadd.s32 s19, s18  }
0xa2: {  	s8 =	simm.s32 $0x0;
	s20 =	sshll.u32 s6, $0x1;
	s6 =	sadd.s32 s21, s4  }
0xa3: {  	[timem:s8], [sflag:s22] =	dma.local [hbm:s6], s20  }
0xa4: {  	_ =	swait.ge [sflag:s22], s20  }
0xa5: {  	s5 =	ssub.s32 $0x0, s20;
	[sflag:s22] =	ssyncset.done $0x0  }
0xa6: {  	[sflag:s22] =	ssyncadd.s32 s5;
	_ =	sdelay $0x1  }
0xa7: {  	s23 =	simm.s32 $0x1B8B  }
0xa8: {  	_ =	swait.ge [sflag:s23], $0x1  }
0xa9: {  	[sflag:s23] =	ssyncset.done $0x0  }
0xaa: {  	s25 =	simm.s32 $0x1B8E;
	s24 =	sld [smem:$0x3FFE];
	[sflag:s23] =	ssyncadd.s32 $0xFFFFFFFF  }
0xab: {  	s26 =	simm.s32 $execute0_lowered;
	[smem:$0x3FD2] =	sst s25  }
0xac: {  	s6 =	sshll.u32 s26, $0x1;
	_ =	strace $0x80000046;
	[dreg:$0x1] =	wrdreg $0xFFFFFFFF  }
0xad: {  	s28 =	simm.s32 $_size_execute0_lowered;
	s4 =	sadd.s32 s4, s6;
	[dreg:$0x0] =	wrdreg $0x0  }
0xae: {  	s6 =	sshll.u32 s28, $0x1;
	[dreg:$0x2] =	wrdreg s4  }
0xaf: {  	[dreg:$0x3] =	wrdreg s6  }
0xb0: {  	[dreg:$0x4] =	wrdreg $0xC0  }
0xb1: {  	_ =	task [dreg:s8], $0x5FFFF  }
0xb2: {  	[dreg:$0x1] =	wrdreg $0xFFFFFFFF  }
0xb3: {  	[dreg:$0x0] =	wrdreg $0x60  }
0xb4: {  	[dreg:$0x2] =	wrdreg s15  }
0xb5: {  	[dreg:$0x3] =	wrdreg s16  }
0xb6: {  	[dreg:$0x4] =	wrdreg s24  }
0xb7: {  	[dreg:$0x5] =	wrdreg $0x9  }
0xb8: {  	_ =	task.clear_ibuf [dreg:s8], $0x6FFFF;
	_ =	strace $0x90000046  }
0xb9: {  	s29 =	simm.s32 $0x9;
	_ =	strace $0x80000048  }
0xba: {  	_ =	swait.ge [sflag:s29], $0x1  }
0xbb: {  	[sflag:s29] =	ssyncadd.s32 $0xFFFFFFFF  }
0xbc: {  	_ =	strace $0x90000048  }
0xbd: {  	_ =	sfence  }
0xbe: {  	s30 =	sld [smem:$0x0];
	_ =	sdelay $0x2  }
0xbf: {  	s31 =	sshll.u32 s1, $0xD;
	s1 =	sshrl.u32 s1, $0x2  }
0xc0: {  	s3 =	sand.u32 $0x4000, s31;
	s1 =	sadd.s32 s1, s30  }
0xc1: {  	s0 =	sor.u32 s3, s0;
	s1 =	sshll.u32 s1, $0x11  }
0xc2: {  	s0 =	sor.u32 s1, s0  }
0xc3: {  	s0 =	sadd.s32 $0x8F2B, s0  }
0xc4: {  	[sflag:s0] =	ssyncadd.remote.s32 $0x1  }
0xc5: {  	_ =	sfence.sel $0xFFFF  }
0xc6: {  	[dreg:$0x0] =	wrdreg $0xFFFFFFFF;
	(pc) =	sbr.abs _section_cstart, $3  }
0xc7: {  	[dreg:$0x1] =	wrdreg $0xFFFFFFFF  }
0xc8: {  	_ =	task.clear_ibuf [dreg:s8], $0x2FFFF;
	_ =	strace $0x9FFFFFFF  }
0xc9: {  	(tm) =	ssettm $0x7FFFFFFF  }
tec
execute0_lowered:
.L_overlay_start_1:
0x0: {  	(tag) =	ssettag $0x1  }
0x1: {  	s1 =	rddreg [dreg:$0x0]  }
0x2: {  	s4 =	rddreg [dreg:$0x1]  }
0x3: {  	s5 =	rddreg [dreg:$0x2]  }
0x4: {  	s0 =	rddreg [dreg:$0x3];
	s2 =	simm.s32 $0x0  }
0x5: {  	s3 =	srdreg.scid;
	s12 =	simm.s32 $0x1;
	s13 =	simm.s32 $0x5C00  }
0x6: {  	s14 =	simm.s32 $0x4;
	s15 =	simm.s32 $0x4;
	s16 =	simm.s32 $0x2  }
0x7: {  	s18 =	simm.s32 $0x1880;
	[smem:$0x7FF] =	sst s2;
	s6 =	sand.u32 $0x1, s3  }
0x8: {  	s3 =	stileid.u32;
	s10 =	sadd.s32 $0x4400, s5;
	s19 =	sadd.s32 $0x194400, s5  }
0x9: {  	_ =	strace $0x80000047;
	s7 =	sshll.u32 s6, $0x4;
	s9 =	smul.u32 $0xC8000, s3  }
0xa: {  	s8 =	ssub.s32 $0x2, s6;
	s31 =	smul.u32 $0x19000, s3;
	p0 =	seq.s32 s6, $0x0  }
0xb: {  	s7 =	sor.u32 s3, s7;
	s11 =	sshrl.u32 s8, $0x1;
	s15 =	simm.s32 @!p0 $0x3  }
0xc: {  	s7 =	smul.u32 $0x380, s7;
	s28 =	ssub.s32 s8, s11;
	s29 =	sshrl.u32 s9, $0x3  }
0xd: {  	s20 =	sadd.s32 $0x18800, s31;
	s17 =	sor.u32 $0x800, s31;
	s9 =	simm.s32 $0x3  }
0xe: {  	s11 =	simm.s32 $0x1C00;
	s30 =	sadd.s32 $0x18000, s29;
	s5 =	smax.u32 s28, $0x1  }
0xf: {  	s4 =	sadd.s32 s4, s7;
	s6 =	sadd.s32 s19, s30;
	s19 =	smov.u32 @p0 s10  }
0x10: {  	s7 =	sadd.s32 s10, s30;
	s10 =	simm.s32 $0x80;
	s8 =	sadd.s32 s31, s19  }
0x11: {  	s17 =	sadd.s32 s19, s17;
	s19 =	sadd.s32 s19, s20;
	s20 =	simm.s32 $0x0  }
.LBB2_1:
0x12: {  	[tilespmem:s2], [sflag:$0x3] =	stream.linear.gather [hbm4b:s4+s2], $0x1900, $0x38;
	[tilespmem:$0x9C00] =	vst v63  }
0x13: {  	_ =	swait.ge [sflag:s9], $0x1900  }
0x14: {  	[sflag:s9] =	ssyncset.done $0x0  }
0x15: {  	[sflag:s9] =	ssyncadd.s32 $0xFFFFE700  }
0x16: {  	[tilespmem:s11], [sflag:$0x1] =	stream.indirect.gather [hbm4b:s1+s10], $0x80, s2, s10, $0xb8;
	[tilespmem:$0x9C00] =	vst v63  }
0x17: {  	_ =	swait.ge [sflag:s12], $0x4000  }
0x18: {  	[sflag:s12] =	ssyncset.done $0x0  }
0x19: {  	s21 =	simm.s32 $0x80;
	[sflag:s12] =	ssyncadd.s32 $0xFFFFC000  }
0x1a: {  	[tilespmem:s13], [sflag:$0x2] =	stream.indirect.gather [hbm4b:s1+s10], $0x80, s21, s10, $0xb8;
	[tilespmem:$0x9C00] =	vst v63  }
0x1b: {  	s31 =	sadd.s32 $0x0, s8  }
0x1c: {  	[hbm4b:s31+s2] =	stream.linear.scatter [tilespmem:s11], [sflag:$0x4], $0x4000, $0x38;
	[tilespmem:$0x9C00] =	vst v63  }
0x1d: {  	_ =	swait.ge [sflag:s14], $0x4000  }
0x1e: {  	[sflag:s14] =	ssyncset.done $0x0  }
0x1f: {  	[sflag:s14] =	ssyncadd.s32 $0xFFFFC000  }
0x20: {  	_ =	swait.ge [sflag:s16], $0x4000  }
0x21: {  	[sflag:s16] =	ssyncset.done $0x0  }
0x22: {  	s21 =	simm.s32 $0x100;
	[sflag:s16] =	ssyncadd.s32 $0xFFFFC000  }
0x23: {  	[tilespmem:s11], [sflag:$0x1] =	stream.indirect.gather [hbm4b:s1+s10], $0x80, s21, s10, $0xb8;
	[tilespmem:$0x9C00] =	vst v63  }
0x24: {  	s22 =	sadd.s32 $0x0, s17  }
0x25: {  	[hbm4b:s22+s2] =	stream.linear.scatter [tilespmem:s13], [sflag:s15], $0x4000, $0x38;
	[tilespmem:$0x9C00] =	vst v63  }
0x26: {  	_ =	swait.ge [sflag:s15], $0x4000  }
0x27: {  	s22 =	simm.s32 $0x1000;
	[sflag:s15] =	ssyncset.done $0x0  }
.LBB2_2:
0x28: {  	p1 =	sne.s32 s22, $0x17000;
	[sflag:s15] =	ssyncadd.s32 $0xFFFFC000;
	s21 =	sadd.s32 $0x100, s21  }
0x29: {  	s23 =	smov.u32 s22;
	s22 =	sadd.s32 $0x1000, s22  }
0x2a: {  	_ =	swait.ge [sflag:s12], $0x4000  }
0x2b: {  	[sflag:s12] =	ssyncset.done $0x0  }
0x2c: {  	s24 =	sadd.s32 $0xFFFFFF80, s21;
	[sflag:s12] =	ssyncadd.s32 $0xFFFFC000  }
0x2d: {  	[tilespmem:s13], [sflag:$0x2] =	stream.indirect.gather [hbm4b:s1+s10], $0x80, s24, s10, $0xb8;
	[tilespmem:$0x9C00] =	vst v63  }
0x2e: {  	s24 =	sadd.s32 s23, s8  }
0x2f: {  	[hbm4b:s24+s2] =	stream.linear.scatter [tilespmem:s11], [sflag:$0x4], $0x4000, $0x38;
	[tilespmem:$0x9C00] =	vst v63  }
0x30: {  	_ =	swait.ge [sflag:s14], $0x4000  }
0x31: {  	[sflag:s14] =	ssyncset.done $0x0  }
0x32: {  	[sflag:s14] =	ssyncadd.s32 $0xFFFFC000  }
0x33: {  	_ =	swait.ge [sflag:s16], $0x4000  }
0x34: {  	[sflag:s16] =	ssyncset.done $0x0  }
0x35: {  	[sflag:s16] =	ssyncadd.s32 $0xFFFFC000  }
0x36: {  	[tilespmem:s11], [sflag:$0x1] =	stream.indirect.gather [hbm4b:s1+s10], $0x80, s21, s10, $0xb8;
	[tilespmem:$0x9C00] =	vst v63  }
.Ltmp0:
0x37: {  	_ = 	snop;
	(pc) =	sbr.rel @p1 .LBB2_2-.Ltmp0, $4  }
0x38: {  	s23 =	sadd.s32 s23, s17  }
0x39: {  	[hbm4b:s23+s2] =	stream.linear.scatter [tilespmem:s13], [sflag:s15], $0x4000, $0x38;
	[tilespmem:$0x9C00] =	vst v63  }
0x3a: {  	_ =	swait.ge [sflag:s15], $0x4000  }
0x3b: {  	[sflag:s15] =	ssyncset.done $0x0  }
0x3c: {  	[sflag:s15] =	ssyncadd.s32 $0xFFFFC000  }
0x3d: {  	_ =	swait.ge [sflag:s12], $0x4000  }
0x3e: {  	[sflag:s12] =	ssyncset.done $0x0  }
0x3f: {  	[sflag:s12] =	ssyncadd.s32 $0xFFFFC000  }
0x40: {  	[tilespmem:s13], [sflag:$0x2] =	stream.indirect.gather [hbm4b:s1+s10], $0x80, s18, s10, $0xb8;
	[tilespmem:$0x9C00] =	vst v63  }
0x41: {  	s21 =	simm.s32 @p0 $0x0;
	s22 =	simm.s32 @p0 $0x1C00  }
0x42: {  	[hbm4b:s7+s21] =	stream.linear.scatter @p0 [tilespmem:s22], [sflag:$0x4], $0x4000, $0x38;
	[tilespmem:$0x9C00] =	vst v63  }
0x43: {  	s21 =	simm.s32 @p0 $0x4  }
0x44: {  	_ =	swait.ge @p0 [sflag:s21], $0x4000  }
0x45: {  	[sflag:s21] =	ssyncset.done @p0 $0x0  }
0x46: {  	[sflag:s21] =	ssyncadd.s32 @p0 $0xFFFFC000;
	s21 =	simm.s32 @p0 $0x2  }
0x47: {  	_ =	swait.ge @p0 [sflag:s21], $0x4000  }
0x48: {  	[sflag:s21] =	ssyncset.done @p0 $0x0  }
0x49: {  	s22 =	simm.s32 @!p0 $0x1C00;
	[sflag:s21] =	ssyncadd.s32 @p0 $0xFFFFC000;
	s21 =	simm.s32 @!p0 $0x0  }
0x4a: {  	[hbm4b:s6+s21] =	stream.linear.scatter @!p0 [tilespmem:s22], [sflag:$0x4], $0x4000, $0x38;
	[tilespmem:$0x9C00] =	vst v63  }
0x4b: {  	s21 =	simm.s32 @!p0 $0x4  }
0x4c: {  	_ =	swait.ge @!p0 [sflag:s21], $0x4000  }
0x4d: {  	[sflag:s21] =	ssyncset.done @!p0 $0x0  }
0x4e: {  	[sflag:s21] =	ssyncadd.s32 @!p0 $0xFFFFC000;
	s21 =	simm.s32 @!p0 $0x2  }
0x4f: {  	s20 =	sadd.s32 $0x1, s20;
	_ =	swait.ge @!p0 [sflag:s21], $0x4000  }
0x50: {  	p1 =	sne.s32 s20, s5;
	s22 =	simm.s32 @!p0 $0x3;
	[sflag:s21] =	ssyncset.done @!p0 $0x0  }
.Ltmp1:
0x51: {  	s22 =	simm.s32 @p0 $0x4;
	[sflag:s21] =	ssyncadd.s32 @!p0 $0xFFFFC000;
	(pc) =	sbr.rel @p1 .LBB2_1-.Ltmp1, $4  }
0x52: {  	[hbm4b:s19+s2] =	stream.linear.scatter [tilespmem:s13], [sflag:s22], $0x4000, $0x38;
	[tilespmem:$0x9C00] =	vst v63  }
0x53: {  	_ =	swait.ge [sflag:s22], $0x4000  }
0x54: {  	[sflag:s22] =	ssyncset.done $0x0  }
0x55: {  	[sflag:s22] =	ssyncadd.s32 $0xFFFFC000  }
0x56: {  	_ =	sfence.sel $0x180000  }
0x57: {  	[bflag:$0x0] =	sbarrier.arrive $0xFFFF  }
0x58: {  	p0 =	sne.s32 s3, $0x0;
	_ =	strace $0x90000047  }
0x59: {  	s0 =	sadd.s32 @!p0 $0x100000, s0;
	[bflag:$0x2] =	sbarrier.arrive $0xFFFF  }
0x5a: {  	[sflag:s0] =	ssyncadd.tile.s32 @!p0 $0x1;
	_ =	shalt  }
.Lfunc_end2:
_tile_overlayer_lowered:
.L_overlay_start_2:
0x5b: {  	(tag) =	ssettag $0x2  }
0x5c: {  	s0 =	rddreg [dreg:$0x0];
	s2 =	stileid.u32  }
0x5d: {  	s1 =	rddreg [dreg:$0x1];
	p0 =	sne.s32 s2, $0x0  }
0x5e: {  	s3 =	rddreg [dreg:$0x2];
	[bflag:$0x3] =	sbarrier.arrive $0xFFFF;
	s2 =	simm.s32 @!p0 $0x1C03  }
0x5f: {  	[timem:s3], [sflag:s2] =	dma.local @!p0 [hbm:s0], s1  }
0x60: {  	s0 =	simm.s32 @!p0 $0x3  }
0x61: {  	_ =	swait.ge @!p0 [sflag:s0], s1  }
0x62: {  	s1 =	ssub.s32 @!p0 $0x0, s1;
	[sflag:s0] =	ssyncset.done @!p0 $0x0  }
0x63: {  	[sflag:s0] =	ssyncadd.s32 @!p0 s1  }
0x64: {  	[bflag:$0x3] =	sbarrier.arrive $0xFFFF  }
0x65: {  	_ =	shalt  }

</sc_bundles>
